<compile_context>
chip_gen: v7x
topology: tpu7x:2x2x1
jax: 0.10.2.dev20260603
libtpu: 0.0.44.dev20260713+nightly
codegen_flags: <defaults>
</compile_context>

<pallas_src>
import functools

import jax
import jax.numpy as jnp
from jax import lax
from jax.experimental import pallas as pl
from jax.experimental.pallas import tpu as pltpu
from jax.experimental.pallas import tpu_sc as plsc

_B, _M, _D, _K = 1024, 64, 32, 512
_MG = 8


def _assign_body(zt_ref, cb_ref, idx_ref, flat_ref, loss_ref):
    g = pl.program_id(0)
    part = jnp.float32(0.0)
    for j in range(_MG):
        m = g * _MG + j
        zm = zt_ref[j]
        cbm = cb_ref[j]
        cn = jnp.sum(cbm * cbm, axis=1, keepdims=True)
        scores = lax.dot_general(
            cbm * -2.0, zm, (((1,), (1,)), ((), ())),
            preferred_element_type=jnp.float32,
            precision=lax.Precision.HIGHEST,
        )
        dist = cn + scores
        minv = jnp.min(dist, axis=0, keepdims=True)
        iota_k = lax.broadcasted_iota(jnp.int32, (_K, _B), 0)
        idx = jnp.min(jnp.where(dist == minv, iota_k, _K), axis=0)
        idx_ref[j, 0, :] = idx
        flat_ref[j, 0, :] = idx + m * _K
        part = part + (jnp.sum(minv) + jnp.sum(zm * zm))

    @pl.when(g == 0)
    def _():
        loss_ref[:, :] = jnp.zeros((1, 1), jnp.float32)

    loss_ref[:, :] = loss_ref[:, :] + part


_assign_call = pl.pallas_call(
    _assign_body,
    grid=(_M // _MG,),
    in_specs=[
        pl.BlockSpec((_MG, _B, _D), lambda g: (g, 0, 0)),
        pl.BlockSpec((_MG, _K, _D), lambda g: (g, 0, 0)),
    ],
    out_specs=[
        pl.BlockSpec((_MG, 1, _B), lambda g: (g, 0, 0)),
        pl.BlockSpec((_MG, 1, _B), lambda g: (g, 0, 0)),
        pl.BlockSpec((1, 1), lambda g: (0, 0)),
    ],
    out_shape=[
        jax.ShapeDtypeStruct((_M, 1, _B), jnp.int32),
        jax.ShapeDtypeStruct((_M, 1, _B), jnp.int32),
        jax.ShapeDtypeStruct((1, 1), jnp.float32),
    ],
)


@functools.lru_cache(maxsize=1)
def _make_sc_gather():
    nc, ns = 2, 16
    nw = nc * ns
    n = _B * _M
    bpw = n // nw
    ch = 64
    nch = bpw // ch
    mesh = plsc.VectorSubcoreMesh(
        core_axis_name="c", subcore_axis_name="s",
        num_cores=nc, num_subcores=ns,
    )

    @functools.partial(
        pl.kernel,
        mesh=mesh,
        compiler_params=pltpu.CompilerParams(use_tc_tiling_on_sc=False),
        out_type=jax.ShapeDtypeStruct((_B, _M, _D), jnp.float32),
        scratch_types=[
            pltpu.VMEM((nch, ch), jnp.int32),
            pltpu.VMEM((nch, ch, _D), jnp.float32),
            pltpu.SemaphoreType.DMA,
        ],
    )
    def gather(table_hbm, idx_hbm, out_hbm, idx_v, rows_v, sem):
        wid = lax.axis_index("s") * nc + lax.axis_index("c")
        pltpu.sync_copy(idx_hbm.at[wid], idx_v)
        copies = [
            pltpu.async_copy(table_hbm.at[idx_v.at[j]], rows_v.at[j], sem)
            for j in range(nch)
        ]
        for c in copies:
            c.wait()
        pltpu.sync_copy(rows_v, out_hbm.at[pl.ds(wid * (nch), nch)])

    return gather, nw, nch, ch


def kernel(z, codebooks):
    sc_gather, nw, nch, ch = _make_sc_gather()
    z_t = jnp.transpose(z, (1, 0, 2))
    idx_mb, flat_mb, loss = _assign_call(z_t, codebooks)
    idx = idx_mb.reshape(_M, _B).T
    flat = flat_mb.reshape(_M, _B).T.reshape(nw, nch, ch)
    table = codebooks.reshape(_M * _K, _D)
    quantized = sc_gather(table, flat)
    q_loss = (loss[0, 0] * (1.25 / (_B * _M * _D))).astype(jnp.float32)
    return quantized, idx, q_loss

# --- scband reference (transcript-rebuilt; emitter-appended) ---
"""Pipeline reference for scband-product-quantizer-48284022342122 (READ-ONLY COPY).

The authoritative reference and input builder live on the scoring server;
editing this copy changes nothing except your own understanding.
"""

import jax, jax.numpy as jnp
import numpy as np

B, M, D, K = 1024, 64, 32, 512

def setup_inputs(seed: int = 0) -> dict:
    key = jax.random.key(seed)
    k1, k2 = jax.random.split(key)
    z = jax.random.normal(k1, (B, M, D), dtype=jnp.float32)
    codebooks = jax.random.normal(k2, (M, K, D), dtype=jnp.float32)
    return {"z": z, "codebooks": codebooks}

def _distances(z, codebooks):
    # Faithful to (z[:, :, None, :] - codebooks[None])**2 .sum(-1),
    # evaluated per-subspace with lax.map to bound peak memory.
    z_t = jnp.transpose(z, (1, 0, 2))  # [M, B, D]
    def per_sub(args):
        zm, cbm = args  # [B, D], [K, D]
        diff = zm[:, None, :] - cbm[None, :, :]  # [B, K, D]
        return jnp.sum(diff * diff, axis=-1)  # [B, K]
    dist = jax.lax.map(per_sub, (z_t, codebooks))  # [M, B, K]
    return jnp.transpose(dist, (1, 0, 2))  # [B, M, K]

def reference(z, codebooks):
    distances = _distances(z, codebooks)
    encoding_indices = jnp.argmin(distances, axis=-1)  # [B, M]
    m_idx = jnp.arange(codebooks.shape[0])[None, :]  # [1, M]
    quantized = codebooks[m_idx, encoding_indices]  # [B, M, D] gather
    quantized = z + jax.lax.stop_gradient(quantized - z)  # straight-through
    beta = 0.25
    q_loss = jnp.mean((jax.lax.stop_gradient(quantized) - z) ** 2) * beta \
        + jnp.mean((quantized - jax.lax.stop_gradient(z)) ** 2)
    return (quantized, encoding_indices, q_loss)

if __name__ == "__main__":
    import jax
    _d = setup_inputs()
    print(jax.jit(kernel)(*tuple(_d.values())))

</pallas_src>

<mosaic_0001>
#map = affine_map<(d0, d1) -> (0, 0)>
#map1 = affine_map<(d0, d1) -> (0, 0, 0)>
module attributes {stable_mosaic.version = 14 : i64} {
  func.func @gather(%arg0: i32, %arg1: i32, %arg2: memref<32768x32xf32, #tpu.memory_space<hbm>>, %arg3: memref<32x32x64xi32, #tpu.memory_space<hbm>>, %arg4: memref<1024x64x32xf32, #tpu.memory_space<hbm>>, %arg5: memref<32x64xi32, #tpu.memory_space<vmem>>, %arg6: memref<32x64x32xf32, #tpu.memory_space<vmem>>, %arg7: memref<!tpu.dma_semaphore, #tpu.memory_space<semaphore_mem>>) attributes {dimension_semantics = [#tpu.dimension_semantics<core_parallel>, #tpu.dimension_semantics<subcore_parallel>], iteration_bounds = array<i64: 2, 16>, scalar_prefetch = 0 : i64, scratch_operands = 3 : i64, tpu.core_type = #tpu.core_type<sc_vector_subcore>, window_params = [{transform_indices = #map}, {transform_indices = #map1}, {transform_indices = #map1}]} {
    %mul3A = arith.constant 2 : i32
    %mul3A_0 = arith.muli %arg1, %mul3A : i32
    %add3A = arith.addi %mul3A_0, %arg0 : i32
    "tpu.region"() ({
      %run_scoped3A = tpu.sem_alloc : memref<!tpu.dma_semaphore, #tpu.memory_space<semaphore_mem>>
      %dma_start3A_769 = arith.constant 0 : i32
      %dma_start3A_770 = arith.constant 0 : i32
      %dma_start3A_771 = tpu.memref_slice %arg3[%add3A, %dma_start3A_769, %dma_start3A_770] : memref<32x32x64xi32, #tpu.memory_space<hbm>> -> memref<1x32x64xi32, #tpu.memory_space<hbm>>
      %dma_start3A_772 = tpu.memref_squeeze %dma_start3A_771 : memref<1x32x64xi32, #tpu.memory_space<hbm>> -> memref<32x64xi32, #tpu.memory_space<hbm>>
      %dma_start3A_773 = arith.constant 0 : i32
      %dma_start3A_774 = arith.constant 0 : i32
      %dma_start3A_775 = tpu.memref_slice %arg3[%add3A, %dma_start3A_773, %dma_start3A_774] : memref<32x32x64xi32, #tpu.memory_space<hbm>> -> memref<1x32x64xi32, #tpu.memory_space<hbm>>
      %dma_start3A_776 = tpu.memref_squeeze %dma_start3A_775 : memref<1x32x64xi32, #tpu.memory_space<hbm>> -> memref<32x64xi32, #tpu.memory_space<hbm>>
      tpu.enqueue_dma source(%dma_start3A_776 : memref<32x64xi32, #tpu.memory_space<hbm>>) target(%arg5 : memref<32x64xi32, #tpu.memory_space<vmem>>) target_semaphore(%run_scoped3A : memref<!tpu.dma_semaphore, #tpu.memory_space<semaphore_mem>>)
      %dma_wait3A_777 = arith.constant 0 : i32
      %dma_wait3A_778 = arith.constant 0 : i32
      %dma_wait3A_779 = tpu.memref_slice %arg3[%add3A, %dma_wait3A_777, %dma_wait3A_778] : memref<32x32x64xi32, #tpu.memory_space<hbm>> -> memref<1x32x64xi32, #tpu.memory_space<hbm>>
      %dma_wait3A_780 = tpu.memref_squeeze %dma_wait3A_779 : memref<1x32x64xi32, #tpu.memory_space<hbm>> -> memref<32x64xi32, #tpu.memory_space<hbm>>
      %dma_wait3A_781 = arith.constant 0 : i32
      %dma_wait3A_782 = arith.constant 0 : i32
      %dma_wait3A_783 = tpu.memref_slice %arg3[%add3A, %dma_wait3A_781, %dma_wait3A_782] : memref<32x32x64xi32, #tpu.memory_space<hbm>> -> memref<1x32x64xi32, #tpu.memory_space<hbm>>
      %dma_wait3A_784 = tpu.memref_squeeze %dma_wait3A_783 : memref<1x32x64xi32, #tpu.memory_space<hbm>> -> memref<32x64xi32, #tpu.memory_space<hbm>>
      tpu.wait_dma2 semaphore(%run_scoped3A : memref<!tpu.dma_semaphore, #tpu.memory_space<semaphore_mem>>) src(%dma_wait3A_784 : memref<32x64xi32, #tpu.memory_space<hbm>>) dst(%arg5 : memref<32x64xi32, #tpu.memory_space<vmem>>)
      tpu.yield
    }) : () -> ()
    %dma_start3A = arith.constant 0 : i32
    %dma_start3A_1 = arith.constant 0 : i32
    %dma_start3A_2 = arith.constant 0 : i32
    %dma_start3A_3 = arith.constant 0 : i32
    %dma_start3A_4 = tpu.memref_slice %arg6[%dma_start3A_1, %dma_start3A_2, %dma_start3A_3] : memref<32x64x32xf32, #tpu.memory_space<vmem>> -> memref<1x64x32xf32, #tpu.memory_space<vmem>>
    %dma_start3A_5 = tpu.memref_squeeze %dma_start3A_4 : memref<1x64x32xf32, #tpu.memory_space<vmem>> -> memref<64x32xf32, #tpu.memory_space<vmem>>
    %dma_start3A_6 = arith.constant 0 : i32
    %dma_start3A_7 = tpu.memref_slice %arg5[%dma_start3A, %dma_start3A_6] : memref<32x64xi32, #tpu.memory_space<vmem>> -> memref<1x64xi32, #tpu.memory_space<vmem>>
    %dma_start3A_8 = tpu.memref_squeeze %dma_start3A_7 : memref<1x64xi32, #tpu.memory_space<vmem>> -> memref<64xi32, #tpu.memory_space<vmem>>
    %dma_start3A_9 = arith.constant 0 : i32
    %dma_start3A_10 = arith.constant 0 : i32
    %dma_start3A_11 = tpu.memref_slice %arg2[%dma_start3A_9, %dma_start3A_10] : memref<32768x32xf32, #tpu.memory_space<hbm>> -> memref<32768x32xf32, #tpu.memory_space<hbm>>
    tpu.enqueue_indirect_dma source(%dma_start3A_11 : memref<32768x32xf32, #tpu.memory_space<hbm>>) target(%dma_start3A_5 : memref<64x32xf32, #tpu.memory_space<vmem>>) offsets(%dma_start3A_8 : memref<64xi32, #tpu.memory_space<vmem>>) semaphore(%arg7 : memref<!tpu.dma_semaphore, #tpu.memory_space<semaphore_mem>>)
    %dma_start3A_12 = arith.constant 1 : i32
    %dma_start3A_13 = arith.constant 1 : i32
    %dma_start3A_14 = arith.constant 0 : i32
    %dma_start3A_15 = arith.constant 0 : i32
    %dma_start3A_16 = tpu.memref_slice %arg6[%dma_start3A_13, %dma_start3A_14, %dma_start3A_15] : memref<32x64x32xf32, #tpu.memory_space<vmem>> -> memref<1x64x32xf32, #tpu.memory_space<vmem>>
    %dma_start3A_17 = tpu.memref_squeeze %dma_start3A_16 : memref<1x64x32xf32, #tpu.memory_space<vmem>> -> memref<64x32xf32, #tpu.memory_space<vmem>>
    %dma_start3A_18 = arith.constant 0 : i32
    %dma_start3A_19 = tpu.memref_slice %arg5[%dma_start3A_12, %dma_start3A_18] : memref<32x64xi32, #tpu.memory_space<vmem>> -> memref<1x64xi32, #tpu.memory_space<vmem>>
    %dma_start3A_20 = tpu.memref_squeeze %dma_start3A_19 : memref<1x64xi32, #tpu.memory_space<vmem>> -> memref<64xi32, #tpu.memory_space<vmem>>
    %dma_start3A_21 = arith.constant 0 : i32
    %dma_start3A_22 = arith.constant 0 : i32
    %dma_start3A_23 = tpu.memref_slice %arg2[%dma_start3A_21, %dma_start3A_22] : memref<32768x32xf32, #tpu.memory_space<hbm>> -> memref<32768x32xf32, #tpu.memory_space<hbm>>
    tpu.enqueue_indirect_dma source(%dma_start3A_23 : memref<32768x32xf32, #tpu.memory_space<hbm>>) target(%dma_start3A_17 : memref<64x32xf32, #tpu.memory_space<vmem>>) offsets(%dma_start3A_20 : memref<64xi32, #tpu.memory_space<vmem>>) semaphore(%arg7 : memref<!tpu.dma_semaphore, #tpu.memory_space<semaphore_mem>>)
    %dma_start3A_24 = arith.constant 2 : i32
    %dma_start3A_25 = arith.constant 2 : i32
    %dma_start3A_26 = arith.constant 0 : i32
    %dma_start3A_27 = arith.constant 0 : i32
    %dma_start3A_28 = tpu.memref_slice %arg6[%dma_start3A_25, %dma_start3A_26, %dma_start3A_27] : memref<32x64x32xf32, #tpu.memory_space<vmem>> -> memref<1x64x32xf32, #tpu.memory_space<vmem>>
    %dma_start3A_29 = tpu.memref_squeeze %dma_start3A_28 : memref<1x64x32xf32, #tpu.memory_space<vmem>> -> memref<64x32xf32, #tpu.memory_space<vmem>>
    %dma_start3A_30 = arith.constant 0 : i32
    %dma_start3A_31 = tpu.memref_slice %arg5[%dma_start3A_24, %dma_start3A_30] : memref<32x64xi32, #tpu.memory_space<vmem>> -> memref<1x64xi32, #tpu.memory_space<vmem>>
    %dma_start3A_32 = tpu.memref_squeeze %dma_start3A_31 : memref<1x64xi32, #tpu.memory_space<vmem>> -> memref<64xi32, #tpu.memory_space<vmem>>
    %dma_start3A_33 = arith.constant 0 : i32
    %dma_start3A_34 = arith.constant 0 : i32
    %dma_start3A_35 = tpu.memref_slice %arg2[%dma_start3A_33, %dma_start3A_34] : memref<32768x32xf32, #tpu.memory_space<hbm>> -> memref<32768x32xf32, #tpu.memory_space<hbm>>
    tpu.enqueue_indirect_dma source(%dma_start3A_35 : memref<32768x32xf32, #tpu.memory_space<hbm>>) target(%dma_start3A_29 : memref<64x32xf32, #tpu.memory_space<vmem>>) offsets(%dma_start3A_32 : memref<64xi32, #tpu.memory_space<vmem>>) semaphore(%arg7 : memref<!tpu.dma_semaphore, #tpu.memory_space<semaphore_mem>>)
    %dma_start3A_36 = arith.constant 3 : i32
    %dma_start3A_37 = arith.constant 3 : i32
    %dma_start3A_38 = arith.constant 0 : i32
    %dma_start3A_39 = arith.constant 0 : i32
    %dma_start3A_40 = tpu.memref_slice %arg6[%dma_start3A_37, %dma_start3A_38, %dma_start3A_39] : memref<32x64x32xf32, #tpu.memory_space<vmem>> -> memref<1x64x32xf32, #tpu.memory_space<vmem>>
    %dma_start3A_41 = tpu.memref_squeeze %dma_start3A_40 : memref<1x64x32xf32, #tpu.memory_space<vmem>> -> memref<64x32xf32, #tpu.memory_space<vmem>>
    %dma_start3A_42 = arith.constant 0 : i32
    %dma_start3A_43 = tpu.memref_slice %arg5[%dma_start3A_36, %dma_start3A_42] : memref<32x64xi32, #tpu.memory_space<vmem>> -> memref<1x64xi32, #tpu.memory_space<vmem>>
    %dma_start3A_44 = tpu.memref_squeeze %dma_start3A_43 : memref<1x64xi32, #tpu.memory_space<vmem>> -> memref<64xi32, #tpu.memory_space<vmem>>
    %dma_start3A_45 = arith.constant 0 : i32
    %dma_start3A_46 = arith.constant 0 : i32
    %dma_start3A_47 = tpu.memref_slice %arg2[%dma_start3A_45, %dma_start3A_46] : memref<32768x32xf32, #tpu.memory_space<hbm>> -> memref<32768x32xf32, #tpu.memory_space<hbm>>
    tpu.enqueue_indirect_dma source(%dma_start3A_47 : memref<32768x32xf32, #tpu.memory_space<hbm>>) target(%dma_start3A_41 : memref<64x32xf32, #tpu.memory_space<vmem>>) offsets(%dma_start3A_44 : memref<64xi32, #tpu.memory_space<vmem>>) semaphore(%arg7 : memref<!tpu.dma_semaphore, #tpu.memory_space<semaphore_mem>>)
    %dma_start3A_48 = arith.constant 4 : i32
    %dma_start3A_49 = arith.constant 4 : i32
    %dma_start3A_50 = arith.constant 0 : i32
    %dma_start3A_51 = arith.constant 0 : i32
    %dma_start3A_52 = tpu.memref_slice %arg6[%dma_start3A_49, %dma_start3A_50, %dma_start3A_51] : memref<32x64x32xf32, #tpu.memory_space<vmem>> -> memref<1x64x32xf32, #tpu.memory_space<vmem>>
    %dma_start3A_53 = tpu.memref_squeeze %dma_start3A_52 : memref<1x64x32xf32, #tpu.memory_space<vmem>> -> memref<64x32xf32, #tpu.memory_space<vmem>>
    %dma_start3A_54 = arith.constant 0 : i32
    %dma_start3A_55 = tpu.memref_slice %arg5[%dma_start3A_48, %dma_start3A_54] : memref<32x64xi32, #tpu.memory_space<vmem>> -> memref<1x64xi32, #tpu.memory_space<vmem>>
    %dma_start3A_56 = tpu.memref_squeeze %dma_start3A_55 : memref<1x64xi32, #tpu.memory_space<vmem>> -> memref<64xi32, #tpu.memory_space<vmem>>
    %dma_start3A_57 = arith.constant 0 : i32
    %dma_start3A_58 = arith.constant 0 : i32
    %dma_start3A_59 = tpu.memref_slice %arg2[%dma_start3A_57, %dma_start3A_58] : memref<32768x32xf32, #tpu.memory_space<hbm>> -> memref<32768x32xf32, #tpu.memory_space<hbm>>
    tpu.enqueue_indirect_dma source(%dma_start3A_59 : memref<32768x32xf32, #tpu.memory_space<hbm>>) target(%dma_start3A_53 : memref<64x32xf32, #tpu.memory_space<vmem>>) offsets(%dma_start3A_56 : memref<64xi32, #tpu.memory_space<vmem>>) semaphore(%arg7 : memref<!tpu.dma_semaphore, #tpu.memory_space<semaphore_mem>>)
    %dma_start3A_60 = arith.constant 5 : i32
    %dma_start3A_61 = arith.constant 5 : i32
    %dma_start3A_62 = arith.constant 0 : i32
    %dma_start3A_63 = arith.constant 0 : i32
    %dma_start3A_64 = tpu.memref_slice %arg6[%dma_start3A_61, %dma_start3A_62, %dma_start3A_63] : memref<32x64x32xf32, #tpu.memory_space<vmem>> -> memref<1x64x32xf32, #tpu.memory_space<vmem>>
    %dma_start3A_65 = tpu.memref_squeeze %dma_start3A_64 : memref<1x64x32xf32, #tpu.memory_space<vmem>> -> memref<64x32xf32, #tpu.memory_space<vmem>>
    %dma_start3A_66 = arith.constant 0 : i32
    %dma_start3A_67 = tpu.memref_slice %arg5[%dma_start3A_60, %dma_start3A_66] : memref<32x64xi32, #tpu.memory_space<vmem>> -> memref<1x64xi32, #tpu.memory_space<vmem>>
    %dma_start3A_68 = tpu.memref_squeeze %dma_start3A_67 : memref<1x64xi32, #tpu.memory_space<vmem>> -> memref<64xi32, #tpu.memory_space<vmem>>
    %dma_start3A_69 = arith.constant 0 : i32
    %dma_start3A_70 = arith.constant 0 : i32
    %dma_start3A_71 = tpu.memref_slice %arg2[%dma_start3A_69, %dma_start3A_70] : memref<32768x32xf32, #tpu.memory_space<hbm>> -> memref<32768x32xf32, #tpu.memory_space<hbm>>
    tpu.enqueue_indirect_dma source(%dma_start3A_71 : memref<32768x32xf32, #tpu.memory_space<hbm>>) target(%dma_start3A_65 : memref<64x32xf32, #tpu.memory_space<vmem>>) offsets(%dma_start3A_68 : memref<64xi32, #tpu.memory_space<vmem>>) semaphore(%arg7 : memref<!tpu.dma_semaphore, #tpu.memory_space<semaphore_mem>>)
    %dma_start3A_72 = arith.constant 6 : i32
    %dma_start3A_73 = arith.constant 6 : i32
    %dma_start3A_74 = arith.constant 0 : i32
    %dma_start3A_75 = arith.constant 0 : i32
    %dma_start3A_76 = tpu.memref_slice %arg6[%dma_start3A_73, %dma_start3A_74, %dma_start3A_75] : memref<32x64x32xf32, #tpu.memory_space<vmem>> -> memref<1x64x32xf32, #tpu.memory_space<vmem>>
    %dma_start3A_77 = tpu.memref_squeeze %dma_start3A_76 : memref<1x64x32xf32, #tpu.memory_space<vmem>> -> memref<64x32xf32, #tpu.memory_space<vmem>>
    %dma_start3A_78 = arith.constant 0 : i32
    %dma_start3A_79 = tpu.memref_slice %arg5[%dma_start3A_72, %dma_start3A_78] : memref<32x64xi32, #tpu.memory_space<vmem>> -> memref<1x64xi32, #tpu.memory_space<vmem>>
    %dma_start3A_80 = tpu.memref_squeeze %dma_start3A_79 : memref<1x64xi32, #tpu.memory_space<vmem>> -> memref<64xi32, #tpu.memory_space<vmem>>
    %dma_start3A_81 = arith.constant 0 : i32
    %dma_start3A_82 = arith.constant 0 : i32
    %dma_start3A_83 = tpu.memref_slice %arg2[%dma_start3A_81, %dma_start3A_82] : memref<32768x32xf32, #tpu.memory_space<hbm>> -> memref<32768x32xf32, #tpu.memory_space<hbm>>
    tpu.enqueue_indirect_dma source(%dma_start3A_83 : memref<32768x32xf32, #tpu.memory_space<hbm>>) target(%dma_start3A_77 : memref<64x32xf32, #tpu.memory_space<vmem>>) offsets(%dma_start3A_80 : memref<64xi32, #tpu.memory_space<vmem>>) semaphore(%arg7 : memref<!tpu.dma_semaphore, #tpu.memory_space<semaphore_mem>>)
    %dma_start3A_84 = arith.constant 7 : i32
    %dma_start3A_85 = arith.constant 7 : i32
    %dma_start3A_86 = arith.constant 0 : i32
    %dma_start3A_87 = arith.constant 0 : i32
    %dma_start3A_88 = tpu.memref_slice %arg6[%dma_start3A_85, %dma_start3A_86, %dma_start3A_87] : memref<32x64x32xf32, #tpu.memory_space<vmem>> -> memref<1x64x32xf32, #tpu.memory_space<vmem>>
    %dma_start3A_89 = tpu.memref_squeeze %dma_start3A_88 : memref<1x64x32xf32, #tpu.memory_space<vmem>> -> memref<64x32xf32, #tpu.memory_space<vmem>>
    %dma_start3A_90 = arith.constant 0 : i32
    %dma_start3A_91 = tpu.memref_slice %arg5[%dma_start3A_84, %dma_start3A_90] : memref<32x64xi32, #tpu.memory_space<vmem>> -> memref<1x64xi32, #tpu.memory_space<vmem>>
    %dma_start3A_92 = tpu.memref_squeeze %dma_start3A_91 : memref<1x64xi32, #tpu.memory_space<vmem>> -> memref<64xi32, #tpu.memory_space<vmem>>
    %dma_start3A_93 = arith.constant 0 : i32
    %dma_start3A_94 = arith.constant 0 : i32
    %dma_start3A_95 = tpu.memref_slice %arg2[%dma_start3A_93, %dma_start3A_94] : memref<32768x32xf32, #tpu.memory_space<hbm>> -> memref<32768x32xf32, #tpu.memory_space<hbm>>
    tpu.enqueue_indirect_dma source(%dma_start3A_95 : memref<32768x32xf32, #tpu.memory_space<hbm>>) target(%dma_start3A_89 : memref<64x32xf32, #tpu.memory_space<vmem>>) offsets(%dma_start3A_92 : memref<64xi32, #tpu.memory_space<vmem>>) semaphore(%arg7 : memref<!tpu.dma_semaphore, #tpu.memory_space<semaphore_mem>>)
    %dma_start3A_96 = arith.constant 8 : i32
    %dma_start3A_97 = arith.constant 8 : i32
    %dma_start3A_98 = arith.constant 0 : i32
    %dma_start3A_99 = arith.constant 0 : i32
    %dma_start3A_100 = tpu.memref_slice %arg6[%dma_start3A_97, %dma_start3A_98, %dma_start3A_99] : memref<32x64x32xf32, #tpu.memory_space<vmem>> -> memref<1x64x32xf32, #tpu.memory_space<vmem>>
    %dma_start3A_101 = tpu.memref_squeeze %dma_start3A_100 : memref<1x64x32xf32, #tpu.memory_space<vmem>> -> memref<64x32xf32, #tpu.memory_space<vmem>>
    %dma_start3A_102 = arith.constant 0 : i32
    %dma_start3A_103 = tpu.memref_slice %arg5[%dma_start3A_96, %dma_start3A_102] : memref<32x64xi32, #tpu.memory_space<vmem>> -> memref<1x64xi32, #tpu.memory_space<vmem>>
    %dma_start3A_104 = tpu.memref_squeeze %dma_start3A_103 : memref<1x64xi32, #tpu.memory_space<vmem>> -> memref<64xi32, #tpu.memory_space<vmem>>
    %dma_start3A_105 = arith.constant 0 : i32
    %dma_start3A_106 = arith.constant 0 : i32
    %dma_start3A_107 = tpu.memref_slice %arg2[%dma_start3A_105, %dma_start3A_106] : memref<32768x32xf32, #tpu.memory_space<hbm>> -> memref<32768x32xf32, #tpu.memory_space<hbm>>
    tpu.enqueue_indirect_dma source(%dma_start3A_107 : memref<32768x32xf32, #tpu.memory_space<hbm>>) target(%dma_start3A_101 : memref<64x32xf32, #tpu.memory_space<vmem>>) offsets(%dma_start3A_104 : memref<64xi32, #tpu.memory_space<vmem>>) semaphore(%arg7 : memref<!tpu.dma_semaphore, #tpu.memory_space<semaphore_mem>>)
    %dma_start3A_108 = arith.constant 9 : i32
    %dma_start3A_109 = arith.constant 9 : i32
    %dma_start3A_110 = arith.constant 0 : i32
    %dma_start3A_111 = arith.constant 0 : i32
    %dma_start3A_112 = tpu.memref_slice %arg6[%dma_start3A_109, %dma_start3A_110, %dma_start3A_111] : memref<32x64x32xf32, #tpu.memory_space<vmem>> -> memref<1x64x32xf32, #tpu.memory_space<vmem>>
    %dma_start3A_113 = tpu.memref_squeeze %dma_start3A_112 : memref<1x64x32xf32, #tpu.memory_space<vmem>> -> memref<64x32xf32, #tpu.memory_space<vmem>>
    %dma_start3A_114 = arith.constant 0 : i32
    %dma_start3A_115 = tpu.memref_slice %arg5[%dma_start3A_108, %dma_start3A_114] : memref<32x64xi32, #tpu.memory_space<vmem>> -> memref<1x64xi32, #tpu.memory_space<vmem>>
    %dma_start3A_116 = tpu.memref_squeeze %dma_start3A_115 : memref<1x64xi32, #tpu.memory_space<vmem>> -> memref<64xi32, #tpu.memory_space<vmem>>
    %dma_start3A_117 = arith.constant 0 : i32
    %dma_start3A_118 = arith.constant 0 : i32
    %dma_start3A_119 = tpu.memref_slice %arg2[%dma_start3A_117, %dma_start3A_118] : memref<32768x32xf32, #tpu.memory_space<hbm>> -> memref<32768x32xf32, #tpu.memory_space<hbm>>
    tpu.enqueue_indirect_dma source(%dma_start3A_119 : memref<32768x32xf32, #tpu.memory_space<hbm>>) target(%dma_start3A_113 : memref<64x32xf32, #tpu.memory_space<vmem>>) offsets(%dma_start3A_116 : memref<64xi32, #tpu.memory_space<vmem>>) semaphore(%arg7 : memref<!tpu.dma_semaphore, #tpu.memory_space<semaphore_mem>>)
    %dma_start3A_120 = arith.constant 10 : i32
    %dma_start3A_121 = arith.constant 10 : i32
    %dma_start3A_122 = arith.constant 0 : i32
    %dma_start3A_123 = arith.constant 0 : i32
    %dma_start3A_124 = tpu.memref_slice %arg6[%dma_start3A_121, %dma_start3A_122, %dma_start3A_123] : memref<32x64x32xf32, #tpu.memory_space<vmem>> -> memref<1x64x32xf32, #tpu.memory_space<vmem>>
    %dma_start3A_125 = tpu.memref_squeeze %dma_start3A_124 : memref<1x64x32xf32, #tpu.memory_space<vmem>> -> memref<64x32xf32, #tpu.memory_space<vmem>>
    %dma_start3A_126 = arith.constant 0 : i32
    %dma_start3A_127 = tpu.memref_slice %arg5[%dma_start3A_120, %dma_start3A_126] : memref<32x64xi32, #tpu.memory_space<vmem>> -> memref<1x64xi32, #tpu.memory_space<vmem>>
    %dma_start3A_128 = tpu.memref_squeeze %dma_start3A_127 : memref<1x64xi32, #tpu.memory_space<vmem>> -> memref<64xi32, #tpu.memory_space<vmem>>
    %dma_start3A_129 = arith.constant 0 : i32
    %dma_start3A_130 = arith.constant 0 : i32
    %dma_start3A_131 = tpu.memref_slice %arg2[%dma_start3A_129, %dma_start3A_130] : memref<32768x32xf32, #tpu.memory_space<hbm>> -> memref<32768x32xf32, #tpu.memory_space<hbm>>
    tpu.enqueue_indirect_dma source(%dma_start3A_131 : memref<32768x32xf32, #tpu.memory_space<hbm>>) target(%dma_start3A_125 : memref<64x32xf32, #tpu.memory_space<vmem>>) offsets(%dma_start3A_128 : memref<64xi32, #tpu.memory_space<vmem>>) semaphore(%arg7 : memref<!tpu.dma_semaphore, #tpu.memory_space<semaphore_mem>>)
    %dma_start3A_132 = arith.constant 11 : i32
    %dma_start3A_133 = arith.constant 11 : i32
    %dma_start3A_134 = arith.constant 0 : i32
    %dma_start3A_135 = arith.constant 0 : i32
    %dma_start3A_136 = tpu.memref_slice %arg6[%dma_start3A_133, %dma_start3A_134, %dma_start3A_135] : memref<32x64x32xf32, #tpu.memory_space<vmem>> -> memref<1x64x32xf32, #tpu.memory_space<vmem>>
    %dma_start3A_137 = tpu.memref_squeeze %dma_start3A_136 : memref<1x64x32xf32, #tpu.memory_space<vmem>> -> memref<64x32xf32, #tpu.memory_space<vmem>>
    %dma_start3A_138 = arith.constant 0 : i32
    %dma_start3A_139 = tpu.memref_slice %arg5[%dma_start3A_132, %dma_start3A_138] : memref<32x64xi32, #tpu.memory_space<vmem>> -> memref<1x64xi32, #tpu.memory_space<vmem>>
    %dma_start3A_140 = tpu.memref_squeeze %dma_start3A_139 : memref<1x64xi32, #tpu.memory_space<vmem>> -> memref<64xi32, #tpu.memory_space<vmem>>
    %dma_start3A_141 = arith.constant 0 : i32
    %dma_start3A_142 = arith.constant 0 : i32
    %dma_start3A_143 = tpu.memref_slice %arg2[%dma_start3A_141, %dma_start3A_142] : memref<32768x32xf32, #tpu.memory_space<hbm>> -> memref<32768x32xf32, #tpu.memory_space<hbm>>
    tpu.enqueue_indirect_dma source(%dma_start3A_143 : memref<32768x32xf32, #tpu.memory_space<hbm>>) target(%dma_start3A_137 : memref<64x32xf32, #tpu.memory_space<vmem>>) offsets(%dma_start3A_140 : memref<64xi32, #tpu.memory_space<vmem>>) semaphore(%arg7 : memref<!tpu.dma_semaphore, #tpu.memory_space<semaphore_mem>>)
    %dma_start3A_144 = arith.constant 12 : i32
    %dma_start3A_145 = arith.constant 12 : i32
    %dma_start3A_146 = arith.constant 0 : i32
    %dma_start3A_147 = arith.constant 0 : i32
    %dma_start3A_148 = tpu.memref_slice %arg6[%dma_start3A_145, %dma_start3A_146, %dma_start3A_147] : memref<32x64x32xf32, #tpu.memory_space<vmem>> -> memref<1x64x32xf32, #tpu.memory_space<vmem>>
    %dma_start3A_149 = tpu.memref_squeeze %dma_start3A_148 : memref<1x64x32xf32, #tpu.memory_space<vmem>> -> memref<64x32xf32, #tpu.memory_space<vmem>>
    %dma_start3A_150 = arith.constant 0 : i32
    %dma_start3A_151 = tpu.memref_slice %arg5[%dma_start3A_144, %dma_start3A_150] : memref<32x64xi32, #tpu.memory_space<vmem>> -> memref<1x64xi32, #tpu.memory_space<vmem>>
    %dma_start3A_152 = tpu.memref_squeeze %dma_start3A_151 : memref<1x64xi32, #tpu.memory_space<vmem>> -> memref<64xi32, #tpu.memory_space<vmem>>
    %dma_start3A_153 = arith.constant 0 : i32
    %dma_start3A_154 = arith.constant 0 : i32
    %dma_start3A_155 = tpu.memref_slice %arg2[%dma_start3A_153, %dma_start3A_154] : memref<32768x32xf32, #tpu.memory_space<hbm>> -> memref<32768x32xf32, #tpu.memory_space<hbm>>
    tpu.enqueue_indirect_dma source(%dma_start3A_155 : memref<32768x32xf32, #tpu.memory_space<hbm>>) target(%dma_start3A_149 : memref<64x32xf32, #tpu.memory_space<vmem>>) offsets(%dma_start3A_152 : memref<64xi32, #tpu.memory_space<vmem>>) semaphore(%arg7 : memref<!tpu.dma_semaphore, #tpu.memory_space<semaphore_mem>>)
    %dma_start3A_156 = arith.constant 13 : i32
    %dma_start3A_157 = arith.constant 13 : i32
    %dma_start3A_158 = arith.constant 0 : i32
    %dma_start3A_159 = arith.constant 0 : i32
    %dma_start3A_160 = tpu.memref_slice %arg6[%dma_start3A_157, %dma_start3A_158, %dma_start3A_159] : memref<32x64x32xf32, #tpu.memory_space<vmem>> -> memref<1x64x32xf32, #tpu.memory_space<vmem>>
    %dma_start3A_161 = tpu.memref_squeeze %dma_start3A_160 : memref<1x64x32xf32, #tpu.memory_space<vmem>> -> memref<64x32xf32, #tpu.memory_space<vmem>>
    %dma_start3A_162 = arith.constant 0 : i32
    %dma_start3A_163 = tpu.memref_slice %arg5[%dma_start3A_156, %dma_start3A_162] : memref<32x64xi32, #tpu.memory_space<vmem>> -> memref<1x64xi32, #tpu.memory_space<vmem>>
    %dma_start3A_164 = tpu.memref_squeeze %dma_start3A_163 : memref<1x64xi32, #tpu.memory_space<vmem>> -> memref<64xi32, #tpu.memory_space<vmem>>
    %dma_start3A_165 = arith.constant 0 : i32
    %dma_start3A_166 = arith.constant 0 : i32
    %dma_start3A_167 = tpu.memref_slice %arg2[%dma_start3A_165, %dma_start3A_166] : memref<32768x32xf32, #tpu.memory_space<hbm>> -> memref<32768x32xf32, #tpu.memory_space<hbm>>
    tpu.enqueue_indirect_dma source(%dma_start3A_167 : memref<32768x32xf32, #tpu.memory_space<hbm>>) target(%dma_start3A_161 : memref<64x32xf32, #tpu.memory_space<vmem>>) offsets(%dma_start3A_164 : memref<64xi32, #tpu.memory_space<vmem>>) semaphore(%arg7 : memref<!tpu.dma_semaphore, #tpu.memory_space<semaphore_mem>>)
    %dma_start3A_168 = arith.constant 14 : i32
    %dma_start3A_169 = arith.constant 14 : i32
    %dma_start3A_170 = arith.constant 0 : i32
    %dma_start3A_171 = arith.constant 0 : i32
    %dma_start3A_172 = tpu.memref_slice %arg6[%dma_start3A_169, %dma_start3A_170, %dma_start3A_171] : memref<32x64x32xf32, #tpu.memory_space<vmem>> -> memref<1x64x32xf32, #tpu.memory_space<vmem>>
    %dma_start3A_173 = tpu.memref_squeeze %dma_start3A_172 : memref<1x64x32xf32, #tpu.memory_space<vmem>> -> memref<64x32xf32, #tpu.memory_space<vmem>>
    %dma_start3A_174 = arith.constant 0 : i32
    %dma_start3A_175 = tpu.memref_slice %arg5[%dma_start3A_168, %dma_start3A_174] : memref<32x64xi32, #tpu.memory_space<vmem>> -> memref<1x64xi32, #tpu.memory_space<vmem>>
    %dma_start3A_176 = tpu.memref_squeeze %dma_start3A_175 : memref<1x64xi32, #tpu.memory_space<vmem>> -> memref<64xi32, #tpu.memory_space<vmem>>
    %dma_start3A_177 = arith.constant 0 : i32
    %dma_start3A_178 = arith.constant 0 : i32
    %dma_start3A_179 = tpu.memref_slice %arg2[%dma_start3A_177, %dma_start3A_178] : memref<32768x32xf32, #tpu.memory_space<hbm>> -> memref<32768x32xf32, #tpu.memory_space<hbm>>
    tpu.enqueue_indirect_dma source(%dma_start3A_179 : memref<32768x32xf32, #tpu.memory_space<hbm>>) target(%dma_start3A_173 : memref<64x32xf32, #tpu.memory_space<vmem>>) offsets(%dma_start3A_176 : memref<64xi32, #tpu.memory_space<vmem>>) semaphore(%arg7 : memref<!tpu.dma_semaphore, #tpu.memory_space<semaphore_mem>>)
    %dma_start3A_180 = arith.constant 15 : i32
    %dma_start3A_181 = arith.constant 15 : i32
    %dma_start3A_182 = arith.constant 0 : i32
    %dma_start3A_183 = arith.constant 0 : i32
    %dma_start3A_184 = tpu.memref_slice %arg6[%dma_start3A_181, %dma_start3A_182, %dma_start3A_183] : memref<32x64x32xf32, #tpu.memory_space<vmem>> -> memref<1x64x32xf32, #tpu.memory_space<vmem>>
    %dma_start3A_185 = tpu.memref_squeeze %dma_start3A_184 : memref<1x64x32xf32, #tpu.memory_space<vmem>> -> memref<64x32xf32, #tpu.memory_space<vmem>>
    %dma_start3A_186 = arith.constant 0 : i32
    %dma_start3A_187 = tpu.memref_slice %arg5[%dma_start3A_180, %dma_start3A_186] : memref<32x64xi32, #tpu.memory_space<vmem>> -> memref<1x64xi32, #tpu.memory_space<vmem>>
    %dma_start3A_188 = tpu.memref_squeeze %dma_start3A_187 : memref<1x64xi32, #tpu.memory_space<vmem>> -> memref<64xi32, #tpu.memory_space<vmem>>
    %dma_start3A_189 = arith.constant 0 : i32
    %dma_start3A_190 = arith.constant 0 : i32
    %dma_start3A_191 = tpu.memref_slice %arg2[%dma_start3A_189, %dma_start3A_190] : memref<32768x32xf32, #tpu.memory_space<hbm>> -> memref<32768x32xf32, #tpu.memory_space<hbm>>
    tpu.enqueue_indirect_dma source(%dma_start3A_191 : memref<32768x32xf32, #tpu.memory_space<hbm>>) target(%dma_start3A_185 : memref<64x32xf32, #tpu.memory_space<vmem>>) offsets(%dma_start3A_188 : memref<64xi32, #tpu.memory_space<vmem>>) semaphore(%arg7 : memref<!tpu.dma_semaphore, #tpu.memory_space<semaphore_mem>>)
    %dma_start3A_192 = arith.constant 16 : i32
    %dma_start3A_193 = arith.constant 16 : i32
    %dma_start3A_194 = arith.constant 0 : i32
    %dma_start3A_195 = arith.constant 0 : i32
    %dma_start3A_196 = tpu.memref_slice %arg6[%dma_start3A_193, %dma_start3A_194, %dma_start3A_195] : memref<32x64x32xf32, #tpu.memory_space<vmem>> -> memref<1x64x32xf32, #tpu.memory_space<vmem>>
    %dma_start3A_197 = tpu.memref_squeeze %dma_start3A_196 : memref<1x64x32xf32, #tpu.memory_space<vmem>> -> memref<64x32xf32, #tpu.memory_space<vmem>>
    %dma_start3A_198 = arith.constant 0 : i32
    %dma_start3A_199 = tpu.memref_slice %arg5[%dma_start3A_192, %dma_start3A_198] : memref<32x64xi32, #tpu.memory_space<vmem>> -> memref<1x64xi32, #tpu.memory_space<vmem>>
    %dma_start3A_200 = tpu.memref_squeeze %dma_start3A_199 : memref<1x64xi32, #tpu.memory_space<vmem>> -> memref<64xi32, #tpu.memory_space<vmem>>
    %dma_start3A_201 = arith.constant 0 : i32
    %dma_start3A_202 = arith.constant 0 : i32
    %dma_start3A_203 = tpu.memref_slice %arg2[%dma_start3A_201, %dma_start3A_202] : memref<32768x32xf32, #tpu.memory_space<hbm>> -> memref<32768x32xf32, #tpu.memory_space<hbm>>
    tpu.enqueue_indirect_dma source(%dma_start3A_203 : memref<32768x32xf32, #tpu.memory_space<hbm>>) target(%dma_start3A_197 : memref<64x32xf32, #tpu.memory_space<vmem>>) offsets(%dma_start3A_200 : memref<64xi32, #tpu.memory_space<vmem>>) semaphore(%arg7 : memref<!tpu.dma_semaphore, #tpu.memory_space<semaphore_mem>>)
    %dma_start3A_204 = arith.constant 17 : i32
    %dma_start3A_205 = arith.constant 17 : i32
    %dma_start3A_206 = arith.constant 0 : i32
    %dma_start3A_207 = arith.constant 0 : i32
    %dma_start3A_208 = tpu.memref_slice %arg6[%dma_start3A_205, %dma_start3A_206, %dma_start3A_207] : memref<32x64x32xf32, #tpu.memory_space<vmem>> -> memref<1x64x32xf32, #tpu.memory_space<vmem>>
    %dma_start3A_209 = tpu.memref_squeeze %dma_start3A_208 : memref<1x64x32xf32, #tpu.memory_space<vmem>> -> memref<64x32xf32, #tpu.memory_space<vmem>>
    %dma_start3A_210 = arith.constant 0 : i32
    %dma_start3A_211 = tpu.memref_slice %arg5[%dma_start3A_204, %dma_start3A_210] : memref<32x64xi32, #tpu.memory_space<vmem>> -> memref<1x64xi32, #tpu.memory_space<vmem>>
    %dma_start3A_212 = tpu.memref_squeeze %dma_start3A_211 : memref<1x64xi32, #tpu.memory_space<vmem>> -> memref<64xi32, #tpu.memory_space<vmem>>
    %dma_start3A_213 = arith.constant 0 : i32
    %dma_start3A_214 = arith.constant 0 : i32
    %dma_start3A_215 = tpu.memref_slice %arg2[%dma_start3A_213, %dma_start3A_214] : memref<32768x32xf32, #tpu.memory_space<hbm>> -> memref<32768x32xf32, #tpu.memory_space<hbm>>
    tpu.enqueue_indirect_dma source(%dma_start3A_215 : memref<32768x32xf32, #tpu.memory_space<hbm>>) target(%dma_start3A_209 : memref<64x32xf32, #tpu.memory_space<vmem>>) offsets(%dma_start3A_212 : memref<64xi32, #tpu.memory_space<vmem>>) semaphore(%arg7 : memref<!tpu.dma_semaphore, #tpu.memory_space<semaphore_mem>>)
    %dma_start3A_216 = arith.constant 18 : i32
    %dma_start3A_217 = arith.constant 18 : i32
    %dma_start3A_218 = arith.constant 0 : i32
    %dma_start3A_219 = arith.constant 0 : i32
    %dma_start3A_220 = tpu.memref_slice %arg6[%dma_start3A_217, %dma_start3A_218, %dma_start3A_219] : memref<32x64x32xf32, #tpu.memory_space<vmem>> -> memref<1x64x32xf32, #tpu.memory_space<vmem>>
    %dma_start3A_221 = tpu.memref_squeeze %dma_start3A_220 : memref<1x64x32xf32, #tpu.memory_space<vmem>> -> memref<64x32xf32, #tpu.memory_space<vmem>>
    %dma_start3A_222 = arith.constant 0 : i32
    %dma_start3A_223 = tpu.memref_slice %arg5[%dma_start3A_216, %dma_start3A_222] : memref<32x64xi32, #tpu.memory_space<vmem>> -> memref<1x64xi32, #tpu.memory_space<vmem>>
    %dma_start3A_224 = tpu.memref_squeeze %dma_start3A_223 : memref<1x64xi32, #tpu.memory_space<vmem>> -> memref<64xi32, #tpu.memory_space<vmem>>
    %dma_start3A_225 = arith.constant 0 : i32
    %dma_start3A_226 = arith.constant 0 : i32
    %dma_start3A_227 = tpu.memref_slice %arg2[%dma_start3A_225, %dma_start3A_226] : memref<32768x32xf32, #tpu.memory_space<hbm>> -> memref<32768x32xf32, #tpu.memory_space<hbm>>
    tpu.enqueue_indirect_dma source(%dma_start3A_227 : memref<32768x32xf32, #tpu.memory_space<hbm>>) target(%dma_start3A_221 : memref<64x32xf32, #tpu.memory_space<vmem>>) offsets(%dma_start3A_224 : memref<64xi32, #tpu.memory_space<vmem>>) semaphore(%arg7 : memref<!tpu.dma_semaphore, #tpu.memory_space<semaphore_mem>>)
    %dma_start3A_228 = arith.constant 19 : i32
    %dma_start3A_229 = arith.constant 19 : i32
    %dma_start3A_230 = arith.constant 0 : i32
    %dma_start3A_231 = arith.constant 0 : i32
    %dma_start3A_232 = tpu.memref_slice %arg6[%dma_start3A_229, %dma_start3A_230, %dma_start3A_231] : memref<32x64x32xf32, #tpu.memory_space<vmem>> -> memref<1x64x32xf32, #tpu.memory_space<vmem>>
    %dma_start3A_233 = tpu.memref_squeeze %dma_start3A_232 : memref<1x64x32xf32, #tpu.memory_space<vmem>> -> memref<64x32xf32, #tpu.memory_space<vmem>>
    %dma_start3A_234 = arith.constant 0 : i32
    %dma_start3A_235 = tpu.memref_slice %arg5[%dma_start3A_228, %dma_start3A_234] : memref<32x64xi32, #tpu.memory_space<vmem>> -> memref<1x64xi32, #tpu.memory_space<vmem>>
    %dma_start3A_236 = tpu.memref_squeeze %dma_start3A_235 : memref<1x64xi32, #tpu.memory_space<vmem>> -> memref<64xi32, #tpu.memory_space<vmem>>
    %dma_start3A_237 = arith.constant 0 : i32
    %dma_start3A_238 = arith.constant 0 : i32
    %dma_start3A_239 = tpu.memref_slice %arg2[%dma_start3A_237, %dma_start3A_238] : memref<32768x32xf32, #tpu.memory_space<hbm>> -> memref<32768x32xf32, #tpu.memory_space<hbm>>
    tpu.enqueue_indirect_dma source(%dma_start3A_239 : memref<32768x32xf32, #tpu.memory_space<hbm>>) target(%dma_start3A_233 : memref<64x32xf32, #tpu.memory_space<vmem>>) offsets(%dma_start3A_236 : memref<64xi32, #tpu.memory_space<vmem>>) semaphore(%arg7 : memref<!tpu.dma_semaphore, #tpu.memory_space<semaphore_mem>>)
    %dma_start3A_240 = arith.constant 20 : i32
    %dma_start3A_241 = arith.constant 20 : i32
    %dma_start3A_242 = arith.constant 0 : i32
    %dma_start3A_243 = arith.constant 0 : i32
    %dma_start3A_244 = tpu.memref_slice %arg6[%dma_start3A_241, %dma_start3A_242, %dma_start3A_243] : memref<32x64x32xf32, #tpu.memory_space<vmem>> -> memref<1x64x32xf32, #tpu.memory_space<vmem>>
    %dma_start3A_245 = tpu.memref_squeeze %dma_start3A_244 : memref<1x64x32xf32, #tpu.memory_space<vmem>> -> memref<64x32xf32, #tpu.memory_space<vmem>>
    %dma_start3A_246 = arith.constant 0 : i32
    %dma_start3A_247 = tpu.memref_slice %arg5[%dma_start3A_240, %dma_start3A_246] : memref<32x64xi32, #tpu.memory_space<vmem>> -> memref<1x64xi32, #tpu.memory_space<vmem>>
    %dma_start3A_248 = tpu.memref_squeeze %dma_start3A_247 : memref<1x64xi32, #tpu.memory_space<vmem>> -> memref<64xi32, #tpu.memory_space<vmem>>
    %dma_start3A_249 = arith.constant 0 : i32
    %dma_start3A_250 = arith.constant 0 : i32
    %dma_start3A_251 = tpu.memref_slice %arg2[%dma_start3A_249, %dma_start3A_250] : memref<32768x32xf32, #tpu.memory_space<hbm>> -> memref<32768x32xf32, #tpu.memory_space<hbm>>
    tpu.enqueue_indirect_dma source(%dma_start3A_251 : memref<32768x32xf32, #tpu.memory_space<hbm>>) target(%dma_start3A_245 : memref<64x32xf32, #tpu.memory_space<vmem>>) offsets(%dma_start3A_248 : memref<64xi32, #tpu.memory_space<vmem>>) semaphore(%arg7 : memref<!tpu.dma_semaphore, #tpu.memory_space<semaphore_mem>>)
    %dma_start3A_252 = arith.constant 21 : i32
    %dma_start3A_253 = arith.constant 21 : i32
    %dma_start3A_254 = arith.constant 0 : i32
    %dma_start3A_255 = arith.constant 0 : i32
    %dma_start3A_256 = tpu.memref_slice %arg6[%dma_start3A_253, %dma_start3A_254, %dma_start3A_255] : memref<32x64x32xf32, #tpu.memory_space<vmem>> -> memref<1x64x32xf32, #tpu.memory_space<vmem>>
    %dma_start3A_257 = tpu.memref_squeeze %dma_start3A_256 : memref<1x64x32xf32, #tpu.memory_space<vmem>> -> memref<64x32xf32, #tpu.memory_space<vmem>>
    %dma_start3A_258 = arith.constant 0 : i32
    %dma_start3A_259 = tpu.memref_slice %arg5[%dma_start3A_252, %dma_start3A_258] : memref<32x64xi32, #tpu.memory_space<vmem>> -> memref<1x64xi32, #tpu.memory_space<vmem>>
    %dma_start3A_260 = tpu.memref_squeeze %dma_start3A_259 : memref<1x64xi32, #tpu.memory_space<vmem>> -> memref<64xi32, #tpu.memory_space<vmem>>
    %dma_start3A_261 = arith.constant 0 : i32
    %dma_start3A_262 = arith.constant 0 : i32
    %dma_start3A_263 = tpu.memref_slice %arg2[%dma_start3A_261, %dma_start3A_262] : memref<32768x32xf32, #tpu.memory_space<hbm>> -> memref<32768x32xf32, #tpu.memory_space<hbm>>
    tpu.enqueue_indirect_dma source(%dma_start3A_263 : memref<32768x32xf32, #tpu.memory_space<hbm>>) target(%dma_start3A_257 : memref<64x32xf32, #tpu.memory_space<vmem>>) offsets(%dma_start3A_260 : memref<64xi32, #tpu.memory_space<vmem>>) semaphore(%arg7 : memref<!tpu.dma_semaphore, #tpu.memory_space<semaphore_mem>>)
    %dma_start3A_264 = arith.constant 22 : i32
    %dma_start3A_265 = arith.constant 22 : i32
    %dma_start3A_266 = arith.constant 0 : i32
    %dma_start3A_267 = arith.constant 0 : i32
    %dma_start3A_268 = tpu.memref_slice %arg6[%dma_start3A_265, %dma_start3A_266, %dma_start3A_267] : memref<32x64x32xf32, #tpu.memory_space<vmem>> -> memref<1x64x32xf32, #tpu.memory_space<vmem>>
    %dma_start3A_269 = tpu.memref_squeeze %dma_start3A_268 : memref<1x64x32xf32, #tpu.memory_space<vmem>> -> memref<64x32xf32, #tpu.memory_space<vmem>>
    %dma_start3A_270 = arith.constant 0 : i32
    %dma_start3A_271 = tpu.memref_slice %arg5[%dma_start3A_264, %dma_start3A_270] : memref<32x64xi32, #tpu.memory_space<vmem>> -> memref<1x64xi32, #tpu.memory_space<vmem>>
    %dma_start3A_272 = tpu.memref_squeeze %dma_start3A_271 : memref<1x64xi32, #tpu.memory_space<vmem>> -> memref<64xi32, #tpu.memory_space<vmem>>
    %dma_start3A_273 = arith.constant 0 : i32
    %dma_start3A_274 = arith.constant 0 : i32
    %dma_start3A_275 = tpu.memref_slice %arg2[%dma_start3A_273, %dma_start3A_274] : memref<32768x32xf32, #tpu.memory_space<hbm>> -> memref<32768x32xf32, #tpu.memory_space<hbm>>
    tpu.enqueue_indirect_dma source(%dma_start3A_275 : memref<32768x32xf32, #tpu.memory_space<hbm>>) target(%dma_start3A_269 : memref<64x32xf32, #tpu.memory_space<vmem>>) offsets(%dma_start3A_272 : memref<64xi32, #tpu.memory_space<vmem>>) semaphore(%arg7 : memref<!tpu.dma_semaphore, #tpu.memory_space<semaphore_mem>>)
    %dma_start3A_276 = arith.constant 23 : i32
    %dma_start3A_277 = arith.constant 23 : i32
    %dma_start3A_278 = arith.constant 0 : i32
    %dma_start3A_279 = arith.constant 0 : i32
    %dma_start3A_280 = tpu.memref_slice %arg6[%dma_start3A_277, %dma_start3A_278, %dma_start3A_279] : memref<32x64x32xf32, #tpu.memory_space<vmem>> -> memref<1x64x32xf32, #tpu.memory_space<vmem>>
    %dma_start3A_281 = tpu.memref_squeeze %dma_start3A_280 : memref<1x64x32xf32, #tpu.memory_space<vmem>> -> memref<64x32xf32, #tpu.memory_space<vmem>>
    %dma_start3A_282 = arith.constant 0 : i32
    %dma_start3A_283 = tpu.memref_slice %arg5[%dma_start3A_276, %dma_start3A_282] : memref<32x64xi32, #tpu.memory_space<vmem>> -> memref<1x64xi32, #tpu.memory_space<vmem>>
    %dma_start3A_284 = tpu.memref_squeeze %dma_start3A_283 : memref<1x64xi32, #tpu.memory_space<vmem>> -> memref<64xi32, #tpu.memory_space<vmem>>
    %dma_start3A_285 = arith.constant 0 : i32
    %dma_start3A_286 = arith.constant 0 : i32
    %dma_start3A_287 = tpu.memref_slice %arg2[%dma_start3A_285, %dma_start3A_286] : memref<32768x32xf32, #tpu.memory_space<hbm>> -> memref<32768x32xf32, #tpu.memory_space<hbm>>
    tpu.enqueue_indirect_dma source(%dma_start3A_287 : memref<32768x32xf32, #tpu.memory_space<hbm>>) target(%dma_start3A_281 : memref<64x32xf32, #tpu.memory_space<vmem>>) offsets(%dma_start3A_284 : memref<64xi32, #tpu.memory_space<vmem>>) semaphore(%arg7 : memref<!tpu.dma_semaphore, #tpu.memory_space<semaphore_mem>>)
    %dma_start3A_288 = arith.constant 24 : i32
    %dma_start3A_289 = arith.constant 24 : i32
    %dma_start3A_290 = arith.constant 0 : i32
    %dma_start3A_291 = arith.constant 0 : i32
    %dma_start3A_292 = tpu.memref_slice %arg6[%dma_start3A_289, %dma_start3A_290, %dma_start3A_291] : memref<32x64x32xf32, #tpu.memory_space<vmem>> -> memref<1x64x32xf32, #tpu.memory_space<vmem>>
    %dma_start3A_293 = tpu.memref_squeeze %dma_start3A_292 : memref<1x64x32xf32, #tpu.memory_space<vmem>> -> memref<64x32xf32, #tpu.memory_space<vmem>>
    %dma_start3A_294 = arith.constant 0 : i32
    %dma_start3A_295 = tpu.memref_slice %arg5[%dma_start3A_288, %dma_start3A_294] : memref<32x64xi32, #tpu.memory_space<vmem>> -> memref<1x64xi32, #tpu.memory_space<vmem>>
    %dma_start3A_296 = tpu.memref_squeeze %dma_start3A_295 : memref<1x64xi32, #tpu.memory_space<vmem>> -> memref<64xi32, #tpu.memory_space<vmem>>
    %dma_start3A_297 = arith.constant 0 : i32
    %dma_start3A_298 = arith.constant 0 : i32
    %dma_start3A_299 = tpu.memref_slice %arg2[%dma_start3A_297, %dma_start3A_298] : memref<32768x32xf32, #tpu.memory_space<hbm>> -> memref<32768x32xf32, #tpu.memory_space<hbm>>
    tpu.enqueue_indirect_dma source(%dma_start3A_299 : memref<32768x32xf32, #tpu.memory_space<hbm>>) target(%dma_start3A_293 : memref<64x32xf32, #tpu.memory_space<vmem>>) offsets(%dma_start3A_296 : memref<64xi32, #tpu.memory_space<vmem>>) semaphore(%arg7 : memref<!tpu.dma_semaphore, #tpu.memory_space<semaphore_mem>>)
    %dma_start3A_300 = arith.constant 25 : i32
    %dma_start3A_301 = arith.constant 25 : i32
    %dma_start3A_302 = arith.constant 0 : i32
    %dma_start3A_303 = arith.constant 0 : i32
    %dma_start3A_304 = tpu.memref_slice %arg6[%dma_start3A_301, %dma_start3A_302, %dma_start3A_303] : memref<32x64x32xf32, #tpu.memory_space<vmem>> -> memref<1x64x32xf32, #tpu.memory_space<vmem>>
    %dma_start3A_305 = tpu.memref_squeeze %dma_start3A_304 : memref<1x64x32xf32, #tpu.memory_space<vmem>> -> memref<64x32xf32, #tpu.memory_space<vmem>>
    %dma_start3A_306 = arith.constant 0 : i32
    %dma_start3A_307 = tpu.memref_slice %arg5[%dma_start3A_300, %dma_start3A_306] : memref<32x64xi32, #tpu.memory_space<vmem>> -> memref<1x64xi32, #tpu.memory_space<vmem>>
    %dma_start3A_308 = tpu.memref_squeeze %dma_start3A_307 : memref<1x64xi32, #tpu.memory_space<vmem>> -> memref<64xi32, #tpu.memory_space<vmem>>
    %dma_start3A_309 = arith.constant 0 : i32
    %dma_start3A_310 = arith.constant 0 : i32
    %dma_start3A_311 = tpu.memref_slice %arg2[%dma_start3A_309, %dma_start3A_310] : memref<32768x32xf32, #tpu.memory_space<hbm>> -> memref<32768x32xf32, #tpu.memory_space<hbm>>
    tpu.enqueue_indirect_dma source(%dma_start3A_311 : memref<32768x32xf32, #tpu.memory_space<hbm>>) target(%dma_start3A_305 : memref<64x32xf32, #tpu.memory_space<vmem>>) offsets(%dma_start3A_308 : memref<64xi32, #tpu.memory_space<vmem>>) semaphore(%arg7 : memref<!tpu.dma_semaphore, #tpu.memory_space<semaphore_mem>>)
    %dma_start3A_312 = arith.constant 26 : i32
    %dma_start3A_313 = arith.constant 26 : i32
    %dma_start3A_314 = arith.constant 0 : i32
    %dma_start3A_315 = arith.constant 0 : i32
    %dma_start3A_316 = tpu.memref_slice %arg6[%dma_start3A_313, %dma_start3A_314, %dma_start3A_315] : memref<32x64x32xf32, #tpu.memory_space<vmem>> -> memref<1x64x32xf32, #tpu.memory_space<vmem>>
    %dma_start3A_317 = tpu.memref_squeeze %dma_start3A_316 : memref<1x64x32xf32, #tpu.memory_space<vmem>> -> memref<64x32xf32, #tpu.memory_space<vmem>>
    %dma_start3A_318 = arith.constant 0 : i32
    %dma_start3A_319 = tpu.memref_slice %arg5[%dma_start3A_312, %dma_start3A_318] : memref<32x64xi32, #tpu.memory_space<vmem>> -> memref<1x64xi32, #tpu.memory_space<vmem>>
    %dma_start3A_320 = tpu.memref_squeeze %dma_start3A_319 : memref<1x64xi32, #tpu.memory_space<vmem>> -> memref<64xi32, #tpu.memory_space<vmem>>
    %dma_start3A_321 = arith.constant 0 : i32
    %dma_start3A_322 = arith.constant 0 : i32
    %dma_start3A_323 = tpu.memref_slice %arg2[%dma_start3A_321, %dma_start3A_322] : memref<32768x32xf32, #tpu.memory_space<hbm>> -> memref<32768x32xf32, #tpu.memory_space<hbm>>
    tpu.enqueue_indirect_dma source(%dma_start3A_323 : memref<32768x32xf32, #tpu.memory_space<hbm>>) target(%dma_start3A_317 : memref<64x32xf32, #tpu.memory_space<vmem>>) offsets(%dma_start3A_320 : memref<64xi32, #tpu.memory_space<vmem>>) semaphore(%arg7 : memref<!tpu.dma_semaphore, #tpu.memory_space<semaphore_mem>>)
    %dma_start3A_324 = arith.constant 27 : i32
    %dma_start3A_325 = arith.constant 27 : i32
    %dma_start3A_326 = arith.constant 0 : i32
    %dma_start3A_327 = arith.constant 0 : i32
    %dma_start3A_328 = tpu.memref_slice %arg6[%dma_start3A_325, %dma_start3A_326, %dma_start3A_327] : memref<32x64x32xf32, #tpu.memory_space<vmem>> -> memref<1x64x32xf32, #tpu.memory_space<vmem>>
    %dma_start3A_329 = tpu.memref_squeeze %dma_start3A_328 : memref<1x64x32xf32, #tpu.memory_space<vmem>> -> memref<64x32xf32, #tpu.memory_space<vmem>>
    %dma_start3A_330 = arith.constant 0 : i32
    %dma_start3A_331 = tpu.memref_slice %arg5[%dma_start3A_324, %dma_start3A_330] : memref<32x64xi32, #tpu.memory_space<vmem>> -> memref<1x64xi32, #tpu.memory_space<vmem>>
    %dma_start3A_332 = tpu.memref_squeeze %dma_start3A_331 : memref<1x64xi32, #tpu.memory_space<vmem>> -> memref<64xi32, #tpu.memory_space<vmem>>
    %dma_start3A_333 = arith.constant 0 : i32
    %dma_start3A_334 = arith.constant 0 : i32
    %dma_start3A_335 = tpu.memref_slice %arg2[%dma_start3A_333, %dma_start3A_334] : memref<32768x32xf32, #tpu.memory_space<hbm>> -> memref<32768x32xf32, #tpu.memory_space<hbm>>
    tpu.enqueue_indirect_dma source(%dma_start3A_335 : memref<32768x32xf32, #tpu.memory_space<hbm>>) target(%dma_start3A_329 : memref<64x32xf32, #tpu.memory_space<vmem>>) offsets(%dma_start3A_332 : memref<64xi32, #tpu.memory_space<vmem>>) semaphore(%arg7 : memref<!tpu.dma_semaphore, #tpu.memory_space<semaphore_mem>>)
    %dma_start3A_336 = arith.constant 28 : i32
    %dma_start3A_337 = arith.constant 28 : i32
    %dma_start3A_338 = arith.constant 0 : i32
    %dma_start3A_339 = arith.constant 0 : i32
    %dma_start3A_340 = tpu.memref_slice %arg6[%dma_start3A_337, %dma_start3A_338, %dma_start3A_339] : memref<32x64x32xf32, #tpu.memory_space<vmem>> -> memref<1x64x32xf32, #tpu.memory_space<vmem>>
    %dma_start3A_341 = tpu.memref_squeeze %dma_start3A_340 : memref<1x64x32xf32, #tpu.memory_space<vmem>> -> memref<64x32xf32, #tpu.memory_space<vmem>>
    %dma_start3A_342 = arith.constant 0 : i32
    %dma_start3A_343 = tpu.memref_slice %arg5[%dma_start3A_336, %dma_start3A_342] : memref<32x64xi32, #tpu.memory_space<vmem>> -> memref<1x64xi32, #tpu.memory_space<vmem>>
    %dma_start3A_344 = tpu.memref_squeeze %dma_start3A_343 : memref<1x64xi32, #tpu.memory_space<vmem>> -> memref<64xi32, #tpu.memory_space<vmem>>
    %dma_start3A_345 = arith.constant 0 : i32
    %dma_start3A_346 = arith.constant 0 : i32
    %dma_start3A_347 = tpu.memref_slice %arg2[%dma_start3A_345, %dma_start3A_346] : memref<32768x32xf32, #tpu.memory_space<hbm>> -> memref<32768x32xf32, #tpu.memory_space<hbm>>
    tpu.enqueue_indirect_dma source(%dma_start3A_347 : memref<32768x32xf32, #tpu.memory_space<hbm>>) target(%dma_start3A_341 : memref<64x32xf32, #tpu.memory_space<vmem>>) offsets(%dma_start3A_344 : memref<64xi32, #tpu.memory_space<vmem>>) semaphore(%arg7 : memref<!tpu.dma_semaphore, #tpu.memory_space<semaphore_mem>>)
    %dma_start3A_348 = arith.constant 29 : i32
    %dma_start3A_349 = arith.constant 29 : i32
    %dma_start3A_350 = arith.constant 0 : i32
    %dma_start3A_351 = arith.constant 0 : i32
    %dma_start3A_352 = tpu.memref_slice %arg6[%dma_start3A_349, %dma_start3A_350, %dma_start3A_351] : memref<32x64x32xf32, #tpu.memory_space<vmem>> -> memref<1x64x32xf32, #tpu.memory_space<vmem>>
    %dma_start3A_353 = tpu.memref_squeeze %dma_start3A_352 : memref<1x64x32xf32, #tpu.memory_space<vmem>> -> memref<64x32xf32, #tpu.memory_space<vmem>>
    %dma_start3A_354 = arith.constant 0 : i32
    %dma_start3A_355 = tpu.memref_slice %arg5[%dma_start3A_348, %dma_start3A_354] : memref<32x64xi32, #tpu.memory_space<vmem>> -> memref<1x64xi32, #tpu.memory_space<vmem>>
    %dma_start3A_356 = tpu.memref_squeeze %dma_start3A_355 : memref<1x64xi32, #tpu.memory_space<vmem>> -> memref<64xi32, #tpu.memory_space<vmem>>
    %dma_start3A_357 = arith.constant 0 : i32
    %dma_start3A_358 = arith.constant 0 : i32
    %dma_start3A_359 = tpu.memref_slice %arg2[%dma_start3A_357, %dma_start3A_358] : memref<32768x32xf32, #tpu.memory_space<hbm>> -> memref<32768x32xf32, #tpu.memory_space<hbm>>
    tpu.enqueue_indirect_dma source(%dma_start3A_359 : memref<32768x32xf32, #tpu.memory_space<hbm>>) target(%dma_start3A_353 : memref<64x32xf32, #tpu.memory_space<vmem>>) offsets(%dma_start3A_356 : memref<64xi32, #tpu.memory_space<vmem>>) semaphore(%arg7 : memref<!tpu.dma_semaphore, #tpu.memory_space<semaphore_mem>>)
    %dma_start3A_360 = arith.constant 30 : i32
    %dma_start3A_361 = arith.constant 30 : i32
    %dma_start3A_362 = arith.constant 0 : i32
    %dma_start3A_363 = arith.constant 0 : i32
    %dma_start3A_364 = tpu.memref_slice %arg6[%dma_start3A_361, %dma_start3A_362, %dma_start3A_363] : memref<32x64x32xf32, #tpu.memory_space<vmem>> -> memref<1x64x32xf32, #tpu.memory_space<vmem>>
    %dma_start3A_365 = tpu.memref_squeeze %dma_start3A_364 : memref<1x64x32xf32, #tpu.memory_space<vmem>> -> memref<64x32xf32, #tpu.memory_space<vmem>>
    %dma_start3A_366 = arith.constant 0 : i32
    %dma_start3A_367 = tpu.memref_slice %arg5[%dma_start3A_360, %dma_start3A_366] : memref<32x64xi32, #tpu.memory_space<vmem>> -> memref<1x64xi32, #tpu.memory_space<vmem>>
    %dma_start3A_368 = tpu.memref_squeeze %dma_start3A_367 : memref<1x64xi32, #tpu.memory_space<vmem>> -> memref<64xi32, #tpu.memory_space<vmem>>
    %dma_start3A_369 = arith.constant 0 : i32
    %dma_start3A_370 = arith.constant 0 : i32
    %dma_start3A_371 = tpu.memref_slice %arg2[%dma_start3A_369, %dma_start3A_370] : memref<32768x32xf32, #tpu.memory_space<hbm>> -> memref<32768x32xf32, #tpu.memory_space<hbm>>
    tpu.enqueue_indirect_dma source(%dma_start3A_371 : memref<32768x32xf32, #tpu.memory_space<hbm>>) target(%dma_start3A_365 : memref<64x32xf32, #tpu.memory_space<vmem>>) offsets(%dma_start3A_368 : memref<64xi32, #tpu.memory_space<vmem>>) semaphore(%arg7 : memref<!tpu.dma_semaphore, #tpu.memory_space<semaphore_mem>>)
    %dma_start3A_372 = arith.constant 31 : i32
    %dma_start3A_373 = arith.constant 31 : i32
    %dma_start3A_374 = arith.constant 0 : i32
    %dma_start3A_375 = arith.constant 0 : i32
    %dma_start3A_376 = tpu.memref_slice %arg6[%dma_start3A_373, %dma_start3A_374, %dma_start3A_375] : memref<32x64x32xf32, #tpu.memory_space<vmem>> -> memref<1x64x32xf32, #tpu.memory_space<vmem>>
    %dma_start3A_377 = tpu.memref_squeeze %dma_start3A_376 : memref<1x64x32xf32, #tpu.memory_space<vmem>> -> memref<64x32xf32, #tpu.memory_space<vmem>>
    %dma_start3A_378 = arith.constant 0 : i32
    %dma_start3A_379 = tpu.memref_slice %arg5[%dma_start3A_372, %dma_start3A_378] : memref<32x64xi32, #tpu.memory_space<vmem>> -> memref<1x64xi32, #tpu.memory_space<vmem>>
    %dma_start3A_380 = tpu.memref_squeeze %dma_start3A_379 : memref<1x64xi32, #tpu.memory_space<vmem>> -> memref<64xi32, #tpu.memory_space<vmem>>
    %dma_start3A_381 = arith.constant 0 : i32
    %dma_start3A_382 = arith.constant 0 : i32
    %dma_start3A_383 = tpu.memref_slice %arg2[%dma_start3A_381, %dma_start3A_382] : memref<32768x32xf32, #tpu.memory_space<hbm>> -> memref<32768x32xf32, #tpu.memory_space<hbm>>
    tpu.enqueue_indirect_dma source(%dma_start3A_383 : memref<32768x32xf32, #tpu.memory_space<hbm>>) target(%dma_start3A_377 : memref<64x32xf32, #tpu.memory_space<vmem>>) offsets(%dma_start3A_380 : memref<64xi32, #tpu.memory_space<vmem>>) semaphore(%arg7 : memref<!tpu.dma_semaphore, #tpu.memory_space<semaphore_mem>>)
    %dma_wait3A = arith.constant 0 : i32
    %dma_wait3A_384 = arith.constant 0 : i32
    %dma_wait3A_385 = arith.constant 0 : i32
    %dma_wait3A_386 = arith.constant 0 : i32
    %dma_wait3A_387 = tpu.memref_slice %arg6[%dma_wait3A_384, %dma_wait3A_385, %dma_wait3A_386] : memref<32x64x32xf32, #tpu.memory_space<vmem>> -> memref<1x64x32xf32, #tpu.memory_space<vmem>>
    %dma_wait3A_388 = tpu.memref_squeeze %dma_wait3A_387 : memref<1x64x32xf32, #tpu.memory_space<vmem>> -> memref<64x32xf32, #tpu.memory_space<vmem>>
    %dma_wait3A_389 = arith.constant 0 : i32
    %dma_wait3A_390 = tpu.memref_slice %arg5[%dma_wait3A, %dma_wait3A_389] : memref<32x64xi32, #tpu.memory_space<vmem>> -> memref<1x64xi32, #tpu.memory_space<vmem>>
    %dma_wait3A_391 = tpu.memref_squeeze %dma_wait3A_390 : memref<1x64xi32, #tpu.memory_space<vmem>> -> memref<64xi32, #tpu.memory_space<vmem>>
    %dma_wait3A_392 = arith.constant 0 : i32
    %dma_wait3A_393 = arith.constant 0 : i32
    %dma_wait3A_394 = tpu.memref_slice %arg2[%dma_wait3A_392, %dma_wait3A_393] : memref<32768x32xf32, #tpu.memory_space<hbm>> -> memref<32768x32xf32, #tpu.memory_space<hbm>>
    tpu.wait_indirect_dma semaphore(%arg7 : memref<!tpu.dma_semaphore, #tpu.memory_space<semaphore_mem>>) src(%dma_wait3A_394 : memref<32768x32xf32, #tpu.memory_space<hbm>>) dst(%dma_wait3A_388 : memref<64x32xf32, #tpu.memory_space<vmem>>)
    %dma_wait3A_395 = arith.constant 1 : i32
    %dma_wait3A_396 = arith.constant 1 : i32
    %dma_wait3A_397 = arith.constant 0 : i32
    %dma_wait3A_398 = arith.constant 0 : i32
    %dma_wait3A_399 = tpu.memref_slice %arg6[%dma_wait3A_396, %dma_wait3A_397, %dma_wait3A_398] : memref<32x64x32xf32, #tpu.memory_space<vmem>> -> memref<1x64x32xf32, #tpu.memory_space<vmem>>
    %dma_wait3A_400 = tpu.memref_squeeze %dma_wait3A_399 : memref<1x64x32xf32, #tpu.memory_space<vmem>> -> memref<64x32xf32, #tpu.memory_space<vmem>>
    %dma_wait3A_401 = arith.constant 0 : i32
    %dma_wait3A_402 = tpu.memref_slice %arg5[%dma_wait3A_395, %dma_wait3A_401] : memref<32x64xi32, #tpu.memory_space<vmem>> -> memref<1x64xi32, #tpu.memory_space<vmem>>
    %dma_wait3A_403 = tpu.memref_squeeze %dma_wait3A_402 : memref<1x64xi32, #tpu.memory_space<vmem>> -> memref<64xi32, #tpu.memory_space<vmem>>
    %dma_wait3A_404 = arith.constant 0 : i32
    %dma_wait3A_405 = arith.constant 0 : i32
    %dma_wait3A_406 = tpu.memref_slice %arg2[%dma_wait3A_404, %dma_wait3A_405] : memref<32768x32xf32, #tpu.memory_space<hbm>> -> memref<32768x32xf32, #tpu.memory_space<hbm>>
    tpu.wait_indirect_dma semaphore(%arg7 : memref<!tpu.dma_semaphore, #tpu.memory_space<semaphore_mem>>) src(%dma_wait3A_406 : memref<32768x32xf32, #tpu.memory_space<hbm>>) dst(%dma_wait3A_400 : memref<64x32xf32, #tpu.memory_space<vmem>>)
    %dma_wait3A_407 = arith.constant 2 : i32
    %dma_wait3A_408 = arith.constant 2 : i32
    %dma_wait3A_409 = arith.constant 0 : i32
    %dma_wait3A_410 = arith.constant 0 : i32
    %dma_wait3A_411 = tpu.memref_slice %arg6[%dma_wait3A_408, %dma_wait3A_409, %dma_wait3A_410] : memref<32x64x32xf32, #tpu.memory_space<vmem>> -> memref<1x64x32xf32, #tpu.memory_space<vmem>>
    %dma_wait3A_412 = tpu.memref_squeeze %dma_wait3A_411 : memref<1x64x32xf32, #tpu.memory_space<vmem>> -> memref<64x32xf32, #tpu.memory_space<vmem>>
    %dma_wait3A_413 = arith.constant 0 : i32
    %dma_wait3A_414 = tpu.memref_slice %arg5[%dma_wait3A_407, %dma_wait3A_413] : memref<32x64xi32, #tpu.memory_space<vmem>> -> memref<1x64xi32, #tpu.memory_space<vmem>>
    %dma_wait3A_415 = tpu.memref_squeeze %dma_wait3A_414 : memref<1x64xi32, #tpu.memory_space<vmem>> -> memref<64xi32, #tpu.memory_space<vmem>>
    %dma_wait3A_416 = arith.constant 0 : i32
    %dma_wait3A_417 = arith.constant 0 : i32
    %dma_wait3A_418 = tpu.memref_slice %arg2[%dma_wait3A_416, %dma_wait3A_417] : memref<32768x32xf32, #tpu.memory_space<hbm>> -> memref<32768x32xf32, #tpu.memory_space<hbm>>
    tpu.wait_indirect_dma semaphore(%arg7 : memref<!tpu.dma_semaphore, #tpu.memory_space<semaphore_mem>>) src(%dma_wait3A_418 : memref<32768x32xf32, #tpu.memory_space<hbm>>) dst(%dma_wait3A_412 : memref<64x32xf32, #tpu.memory_space<vmem>>)
    %dma_wait3A_419 = arith.constant 3 : i32
    %dma_wait3A_420 = arith.constant 3 : i32
    %dma_wait3A_421 = arith.constant 0 : i32
    %dma_wait3A_422 = arith.constant 0 : i32
    %dma_wait3A_423 = tpu.memref_slice %arg6[%dma_wait3A_420, %dma_wait3A_421, %dma_wait3A_422] : memref<32x64x32xf32, #tpu.memory_space<vmem>> -> memref<1x64x32xf32, #tpu.memory_space<vmem>>
    %dma_wait3A_424 = tpu.memref_squeeze %dma_wait3A_423 : memref<1x64x32xf32, #tpu.memory_space<vmem>> -> memref<64x32xf32, #tpu.memory_space<vmem>>
    %dma_wait3A_425 = arith.constant 0 : i32
    %dma_wait3A_426 = tpu.memref_slice %arg5[%dma_wait3A_419, %dma_wait3A_425] : memref<32x64xi32, #tpu.memory_space<vmem>> -> memref<1x64xi32, #tpu.memory_space<vmem>>
    %dma_wait3A_427 = tpu.memref_squeeze %dma_wait3A_426 : memref<1x64xi32, #tpu.memory_space<vmem>> -> memref<64xi32, #tpu.memory_space<vmem>>
    %dma_wait3A_428 = arith.constant 0 : i32
    %dma_wait3A_429 = arith.constant 0 : i32
    %dma_wait3A_430 = tpu.memref_slice %arg2[%dma_wait3A_428, %dma_wait3A_429] : memref<32768x32xf32, #tpu.memory_space<hbm>> -> memref<32768x32xf32, #tpu.memory_space<hbm>>
    tpu.wait_indirect_dma semaphore(%arg7 : memref<!tpu.dma_semaphore, #tpu.memory_space<semaphore_mem>>) src(%dma_wait3A_430 : memref<32768x32xf32, #tpu.memory_space<hbm>>) dst(%dma_wait3A_424 : memref<64x32xf32, #tpu.memory_space<vmem>>)
    %dma_wait3A_431 = arith.constant 4 : i32
    %dma_wait3A_432 = arith.constant 4 : i32
    %dma_wait3A_433 = arith.constant 0 : i32
    %dma_wait3A_434 = arith.constant 0 : i32
    %dma_wait3A_435 = tpu.memref_slice %arg6[%dma_wait3A_432, %dma_wait3A_433, %dma_wait3A_434] : memref<32x64x32xf32, #tpu.memory_space<vmem>> -> memref<1x64x32xf32, #tpu.memory_space<vmem>>
    %dma_wait3A_436 = tpu.memref_squeeze %dma_wait3A_435 : memref<1x64x32xf32, #tpu.memory_space<vmem>> -> memref<64x32xf32, #tpu.memory_space<vmem>>
    %dma_wait3A_437 = arith.constant 0 : i32
    %dma_wait3A_438 = tpu.memref_slice %arg5[%dma_wait3A_431, %dma_wait3A_437] : memref<32x64xi32, #tpu.memory_space<vmem>> -> memref<1x64xi32, #tpu.memory_space<vmem>>
    %dma_wait3A_439 = tpu.memref_squeeze %dma_wait3A_438 : memref<1x64xi32, #tpu.memory_space<vmem>> -> memref<64xi32, #tpu.memory_space<vmem>>
    %dma_wait3A_440 = arith.constant 0 : i32
    %dma_wait3A_441 = arith.constant 0 : i32
    %dma_wait3A_442 = tpu.memref_slice %arg2[%dma_wait3A_440, %dma_wait3A_441] : memref<32768x32xf32, #tpu.memory_space<hbm>> -> memref<32768x32xf32, #tpu.memory_space<hbm>>
    tpu.wait_indirect_dma semaphore(%arg7 : memref<!tpu.dma_semaphore, #tpu.memory_space<semaphore_mem>>) src(%dma_wait3A_442 : memref<32768x32xf32, #tpu.memory_space<hbm>>) dst(%dma_wait3A_436 : memref<64x32xf32, #tpu.memory_space<vmem>>)
    %dma_wait3A_443 = arith.constant 5 : i32
    %dma_wait3A_444 = arith.constant 5 : i32
    %dma_wait3A_445 = arith.constant 0 : i32
    %dma_wait3A_446 = arith.constant 0 : i32
    %dma_wait3A_447 = tpu.memref_slice %arg6[%dma_wait3A_444, %dma_wait3A_445, %dma_wait3A_446] : memref<32x64x32xf32, #tpu.memory_space<vmem>> -> memref<1x64x32xf32, #tpu.memory_space<vmem>>
    %dma_wait3A_448 = tpu.memref_squeeze %dma_wait3A_447 : memref<1x64x32xf32, #tpu.memory_space<vmem>> -> memref<64x32xf32, #tpu.memory_space<vmem>>
    %dma_wait3A_449 = arith.constant 0 : i32
    %dma_wait3A_450 = tpu.memref_slice %arg5[%dma_wait3A_443, %dma_wait3A_449] : memref<32x64xi32, #tpu.memory_space<vmem>> -> memref<1x64xi32, #tpu.memory_space<vmem>>
    %dma_wait3A_451 = tpu.memref_squeeze %dma_wait3A_450 : memref<1x64xi32, #tpu.memory_space<vmem>> -> memref<64xi32, #tpu.memory_space<vmem>>
    %dma_wait3A_452 = arith.constant 0 : i32
    %dma_wait3A_453 = arith.constant 0 : i32
    %dma_wait3A_454 = tpu.memref_slice %arg2[%dma_wait3A_452, %dma_wait3A_453] : memref<32768x32xf32, #tpu.memory_space<hbm>> -> memref<32768x32xf32, #tpu.memory_space<hbm>>
    tpu.wait_indirect_dma semaphore(%arg7 : memref<!tpu.dma_semaphore, #tpu.memory_space<semaphore_mem>>) src(%dma_wait3A_454 : memref<32768x32xf32, #tpu.memory_space<hbm>>) dst(%dma_wait3A_448 : memref<64x32xf32, #tpu.memory_space<vmem>>)
    %dma_wait3A_455 = arith.constant 6 : i32
    %dma_wait3A_456 = arith.constant 6 : i32
    %dma_wait3A_457 = arith.constant 0 : i32
    %dma_wait3A_458 = arith.constant 0 : i32
    %dma_wait3A_459 = tpu.memref_slice %arg6[%dma_wait3A_456, %dma_wait3A_457, %dma_wait3A_458] : memref<32x64x32xf32, #tpu.memory_space<vmem>> -> memref<1x64x32xf32, #tpu.memory_space<vmem>>
    %dma_wait3A_460 = tpu.memref_squeeze %dma_wait3A_459 : memref<1x64x32xf32, #tpu.memory_space<vmem>> -> memref<64x32xf32, #tpu.memory_space<vmem>>
    %dma_wait3A_461 = arith.constant 0 : i32
    %dma_wait3A_462 = tpu.memref_slice %arg5[%dma_wait3A_455, %dma_wait3A_461] : memref<32x64xi32, #tpu.memory_space<vmem>> -> memref<1x64xi32, #tpu.memory_space<vmem>>
    %dma_wait3A_463 = tpu.memref_squeeze %dma_wait3A_462 : memref<1x64xi32, #tpu.memory_space<vmem>> -> memref<64xi32, #tpu.memory_space<vmem>>
    %dma_wait3A_464 = arith.constant 0 : i32
    %dma_wait3A_465 = arith.constant 0 : i32
    %dma_wait3A_466 = tpu.memref_slice %arg2[%dma_wait3A_464, %dma_wait3A_465] : memref<32768x32xf32, #tpu.memory_space<hbm>> -> memref<32768x32xf32, #tpu.memory_space<hbm>>
    tpu.wait_indirect_dma semaphore(%arg7 : memref<!tpu.dma_semaphore, #tpu.memory_space<semaphore_mem>>) src(%dma_wait3A_466 : memref<32768x32xf32, #tpu.memory_space<hbm>>) dst(%dma_wait3A_460 : memref<64x32xf32, #tpu.memory_space<vmem>>)
    %dma_wait3A_467 = arith.constant 7 : i32
    %dma_wait3A_468 = arith.constant 7 : i32
    %dma_wait3A_469 = arith.constant 0 : i32
    %dma_wait3A_470 = arith.constant 0 : i32
    %dma_wait3A_471 = tpu.memref_slice %arg6[%dma_wait3A_468, %dma_wait3A_469, %dma_wait3A_470] : memref<32x64x32xf32, #tpu.memory_space<vmem>> -> memref<1x64x32xf32, #tpu.memory_space<vmem>>
    %dma_wait3A_472 = tpu.memref_squeeze %dma_wait3A_471 : memref<1x64x32xf32, #tpu.memory_space<vmem>> -> memref<64x32xf32, #tpu.memory_space<vmem>>
    %dma_wait3A_473 = arith.constant 0 : i32
    %dma_wait3A_474 = tpu.memref_slice %arg5[%dma_wait3A_467, %dma_wait3A_473] : memref<32x64xi32, #tpu.memory_space<vmem>> -> memref<1x64xi32, #tpu.memory_space<vmem>>
    %dma_wait3A_475 = tpu.memref_squeeze %dma_wait3A_474 : memref<1x64xi32, #tpu.memory_space<vmem>> -> memref<64xi32, #tpu.memory_space<vmem>>
    %dma_wait3A_476 = arith.constant 0 : i32
    %dma_wait3A_477 = arith.constant 0 : i32
    %dma_wait3A_478 = tpu.memref_slice %arg2[%dma_wait3A_476, %dma_wait3A_477] : memref<32768x32xf32, #tpu.memory_space<hbm>> -> memref<32768x32xf32, #tpu.memory_space<hbm>>
    tpu.wait_indirect_dma semaphore(%arg7 : memref<!tpu.dma_semaphore, #tpu.memory_space<semaphore_mem>>) src(%dma_wait3A_478 : memref<32768x32xf32, #tpu.memory_space<hbm>>) dst(%dma_wait3A_472 : memref<64x32xf32, #tpu.memory_space<vmem>>)
    %dma_wait3A_479 = arith.constant 8 : i32
    %dma_wait3A_480 = arith.constant 8 : i32
    %dma_wait3A_481 = arith.constant 0 : i32
    %dma_wait3A_482 = arith.constant 0 : i32
    %dma_wait3A_483 = tpu.memref_slice %arg6[%dma_wait3A_480, %dma_wait3A_481, %dma_wait3A_482] : memref<32x64x32xf32, #tpu.memory_space<vmem>> -> memref<1x64x32xf32, #tpu.memory_space<vmem>>
    %dma_wait3A_484 = tpu.memref_squeeze %dma_wait3A_483 : memref<1x64x32xf32, #tpu.memory_space<vmem>> -> memref<64x32xf32, #tpu.memory_space<vmem>>
    %dma_wait3A_485 = arith.constant 0 : i32
    %dma_wait3A_486 = tpu.memref_slice %arg5[%dma_wait3A_479, %dma_wait3A_485] : memref<32x64xi32, #tpu.memory_space<vmem>> -> memref<1x64xi32, #tpu.memory_space<vmem>>
    %dma_wait3A_487 = tpu.memref_squeeze %dma_wait3A_486 : memref<1x64xi32, #tpu.memory_space<vmem>> -> memref<64xi32, #tpu.memory_space<vmem>>
    %dma_wait3A_488 = arith.constant 0 : i32
    %dma_wait3A_489 = arith.constant 0 : i32
    %dma_wait3A_490 = tpu.memref_slice %arg2[%dma_wait3A_488, %dma_wait3A_489] : memref<32768x32xf32, #tpu.memory_space<hbm>> -> memref<32768x32xf32, #tpu.memory_space<hbm>>
    tpu.wait_indirect_dma semaphore(%arg7 : memref<!tpu.dma_semaphore, #tpu.memory_space<semaphore_mem>>) src(%dma_wait3A_490 : memref<32768x32xf32, #tpu.memory_space<hbm>>) dst(%dma_wait3A_484 : memref<64x32xf32, #tpu.memory_space<vmem>>)
    %dma_wait3A_491 = arith.constant 9 : i32
    %dma_wait3A_492 = arith.constant 9 : i32
    %dma_wait3A_493 = arith.constant 0 : i32
    %dma_wait3A_494 = arith.constant 0 : i32
    %dma_wait3A_495 = tpu.memref_slice %arg6[%dma_wait3A_492, %dma_wait3A_493, %dma_wait3A_494] : memref<32x64x32xf32, #tpu.memory_space<vmem>> -> memref<1x64x32xf32, #tpu.memory_space<vmem>>
    %dma_wait3A_496 = tpu.memref_squeeze %dma_wait3A_495 : memref<1x64x32xf32, #tpu.memory_space<vmem>> -> memref<64x32xf32, #tpu.memory_space<vmem>>
    %dma_wait3A_497 = arith.constant 0 : i32
    %dma_wait3A_498 = tpu.memref_slice %arg5[%dma_wait3A_491, %dma_wait3A_497] : memref<32x64xi32, #tpu.memory_space<vmem>> -> memref<1x64xi32, #tpu.memory_space<vmem>>
    %dma_wait3A_499 = tpu.memref_squeeze %dma_wait3A_498 : memref<1x64xi32, #tpu.memory_space<vmem>> -> memref<64xi32, #tpu.memory_space<vmem>>
    %dma_wait3A_500 = arith.constant 0 : i32
    %dma_wait3A_501 = arith.constant 0 : i32
    %dma_wait3A_502 = tpu.memref_slice %arg2[%dma_wait3A_500, %dma_wait3A_501] : memref<32768x32xf32, #tpu.memory_space<hbm>> -> memref<32768x32xf32, #tpu.memory_space<hbm>>
    tpu.wait_indirect_dma semaphore(%arg7 : memref<!tpu.dma_semaphore, #tpu.memory_space<semaphore_mem>>) src(%dma_wait3A_502 : memref<32768x32xf32, #tpu.memory_space<hbm>>) dst(%dma_wait3A_496 : memref<64x32xf32, #tpu.memory_space<vmem>>)
    %dma_wait3A_503 = arith.constant 10 : i32
    %dma_wait3A_504 = arith.constant 10 : i32
    %dma_wait3A_505 = arith.constant 0 : i32
    %dma_wait3A_506 = arith.constant 0 : i32
    %dma_wait3A_507 = tpu.memref_slice %arg6[%dma_wait3A_504, %dma_wait3A_505, %dma_wait3A_506] : memref<32x64x32xf32, #tpu.memory_space<vmem>> -> memref<1x64x32xf32, #tpu.memory_space<vmem>>
    %dma_wait3A_508 = tpu.memref_squeeze %dma_wait3A_507 : memref<1x64x32xf32, #tpu.memory_space<vmem>> -> memref<64x32xf32, #tpu.memory_space<vmem>>
    %dma_wait3A_509 = arith.constant 0 : i32
    %dma_wait3A_510 = tpu.memref_slice %arg5[%dma_wait3A_503, %dma_wait3A_509] : memref<32x64xi32, #tpu.memory_space<vmem>> -> memref<1x64xi32, #tpu.memory_space<vmem>>
    %dma_wait3A_511 = tpu.memref_squeeze %dma_wait3A_510 : memref<1x64xi32, #tpu.memory_space<vmem>> -> memref<64xi32, #tpu.memory_space<vmem>>
    %dma_wait3A_512 = arith.constant 0 : i32
    %dma_wait3A_513 = arith.constant 0 : i32
    %dma_wait3A_514 = tpu.memref_slice %arg2[%dma_wait3A_512, %dma_wait3A_513] : memref<32768x32xf32, #tpu.memory_space<hbm>> -> memref<32768x32xf32, #tpu.memory_space<hbm>>
    tpu.wait_indirect_dma semaphore(%arg7 : memref<!tpu.dma_semaphore, #tpu.memory_space<semaphore_mem>>) src(%dma_wait3A_514 : memref<32768x32xf32, #tpu.memory_space<hbm>>) dst(%dma_wait3A_508 : memref<64x32xf32, #tpu.memory_space<vmem>>)
    %dma_wait3A_515 = arith.constant 11 : i32
    %dma_wait3A_516 = arith.constant 11 : i32
    %dma_wait3A_517 = arith.constant 0 : i32
    %dma_wait3A_518 = arith.constant 0 : i32
    %dma_wait3A_519 = tpu.memref_slice %arg6[%dma_wait3A_516, %dma_wait3A_517, %dma_wait3A_518] : memref<32x64x32xf32, #tpu.memory_space<vmem>> -> memref<1x64x32xf32, #tpu.memory_space<vmem>>
    %dma_wait3A_520 = tpu.memref_squeeze %dma_wait3A_519 : memref<1x64x32xf32, #tpu.memory_space<vmem>> -> memref<64x32xf32, #tpu.memory_space<vmem>>
    %dma_wait3A_521 = arith.constant 0 : i32
    %dma_wait3A_522 = tpu.memref_slice %arg5[%dma_wait3A_515, %dma_wait3A_521] : memref<32x64xi32, #tpu.memory_space<vmem>> -> memref<1x64xi32, #tpu.memory_space<vmem>>
    %dma_wait3A_523 = tpu.memref_squeeze %dma_wait3A_522 : memref<1x64xi32, #tpu.memory_space<vmem>> -> memref<64xi32, #tpu.memory_space<vmem>>
    %dma_wait3A_524 = arith.constant 0 : i32
    %dma_wait3A_525 = arith.constant 0 : i32
    %dma_wait3A_526 = tpu.memref_slice %arg2[%dma_wait3A_524, %dma_wait3A_525] : memref<32768x32xf32, #tpu.memory_space<hbm>> -> memref<32768x32xf32, #tpu.memory_space<hbm>>
    tpu.wait_indirect_dma semaphore(%arg7 : memref<!tpu.dma_semaphore, #tpu.memory_space<semaphore_mem>>) src(%dma_wait3A_526 : memref<32768x32xf32, #tpu.memory_space<hbm>>) dst(%dma_wait3A_520 : memref<64x32xf32, #tpu.memory_space<vmem>>)
    %dma_wait3A_527 = arith.constant 12 : i32
    %dma_wait3A_528 = arith.constant 12 : i32
    %dma_wait3A_529 = arith.constant 0 : i32
    %dma_wait3A_530 = arith.constant 0 : i32
    %dma_wait3A_531 = tpu.memref_slice %arg6[%dma_wait3A_528, %dma_wait3A_529, %dma_wait3A_530] : memref<32x64x32xf32, #tpu.memory_space<vmem>> -> memref<1x64x32xf32, #tpu.memory_space<vmem>>
    %dma_wait3A_532 = tpu.memref_squeeze %dma_wait3A_531 : memref<1x64x32xf32, #tpu.memory_space<vmem>> -> memref<64x32xf32, #tpu.memory_space<vmem>>
    %dma_wait3A_533 = arith.constant 0 : i32
    %dma_wait3A_534 = tpu.memref_slice %arg5[%dma_wait3A_527, %dma_wait3A_533] : memref<32x64xi32, #tpu.memory_space<vmem>> -> memref<1x64xi32, #tpu.memory_space<vmem>>
    %dma_wait3A_535 = tpu.memref_squeeze %dma_wait3A_534 : memref<1x64xi32, #tpu.memory_space<vmem>> -> memref<64xi32, #tpu.memory_space<vmem>>
    %dma_wait3A_536 = arith.constant 0 : i32
    %dma_wait3A_537 = arith.constant 0 : i32
    %dma_wait3A_538 = tpu.memref_slice %arg2[%dma_wait3A_536, %dma_wait3A_537] : memref<32768x32xf32, #tpu.memory_space<hbm>> -> memref<32768x32xf32, #tpu.memory_space<hbm>>
    tpu.wait_indirect_dma semaphore(%arg7 : memref<!tpu.dma_semaphore, #tpu.memory_space<semaphore_mem>>) src(%dma_wait3A_538 : memref<32768x32xf32, #tpu.memory_space<hbm>>) dst(%dma_wait3A_532 : memref<64x32xf32, #tpu.memory_space<vmem>>)
    %dma_wait3A_539 = arith.constant 13 : i32
    %dma_wait3A_540 = arith.constant 13 : i32
    %dma_wait3A_541 = arith.constant 0 : i32
    %dma_wait3A_542 = arith.constant 0 : i32
    %dma_wait3A_543 = tpu.memref_slice %arg6[%dma_wait3A_540, %dma_wait3A_541, %dma_wait3A_542] : memref<32x64x32xf32, #tpu.memory_space<vmem>> -> memref<1x64x32xf32, #tpu.memory_space<vmem>>
    %dma_wait3A_544 = tpu.memref_squeeze %dma_wait3A_543 : memref<1x64x32xf32, #tpu.memory_space<vmem>> -> memref<64x32xf32, #tpu.memory_space<vmem>>
    %dma_wait3A_545 = arith.constant 0 : i32
    %dma_wait3A_546 = tpu.memref_slice %arg5[%dma_wait3A_539, %dma_wait3A_545] : memref<32x64xi32, #tpu.memory_space<vmem>> -> memref<1x64xi32, #tpu.memory_space<vmem>>
    %dma_wait3A_547 = tpu.memref_squeeze %dma_wait3A_546 : memref<1x64xi32, #tpu.memory_space<vmem>> -> memref<64xi32, #tpu.memory_space<vmem>>
    %dma_wait3A_548 = arith.constant 0 : i32
    %dma_wait3A_549 = arith.constant 0 : i32
    %dma_wait3A_550 = tpu.memref_slice %arg2[%dma_wait3A_548, %dma_wait3A_549] : memref<32768x32xf32, #tpu.memory_space<hbm>> -> memref<32768x32xf32, #tpu.memory_space<hbm>>
    tpu.wait_indirect_dma semaphore(%arg7 : memref<!tpu.dma_semaphore, #tpu.memory_space<semaphore_mem>>) src(%dma_wait3A_550 : memref<32768x32xf32, #tpu.memory_space<hbm>>) dst(%dma_wait3A_544 : memref<64x32xf32, #tpu.memory_space<vmem>>)
    %dma_wait3A_551 = arith.constant 14 : i32
    %dma_wait3A_552 = arith.constant 14 : i32
    %dma_wait3A_553 = arith.constant 0 : i32
    %dma_wait3A_554 = arith.constant 0 : i32
    %dma_wait3A_555 = tpu.memref_slice %arg6[%dma_wait3A_552, %dma_wait3A_553, %dma_wait3A_554] : memref<32x64x32xf32, #tpu.memory_space<vmem>> -> memref<1x64x32xf32, #tpu.memory_space<vmem>>
    %dma_wait3A_556 = tpu.memref_squeeze %dma_wait3A_555 : memref<1x64x32xf32, #tpu.memory_space<vmem>> -> memref<64x32xf32, #tpu.memory_space<vmem>>
    %dma_wait3A_557 = arith.constant 0 : i32
    %dma_wait3A_558 = tpu.memref_slice %arg5[%dma_wait3A_551, %dma_wait3A_557] : memref<32x64xi32, #tpu.memory_space<vmem>> -> memref<1x64xi32, #tpu.memory_space<vmem>>
    %dma_wait3A_559 = tpu.memref_squeeze %dma_wait3A_558 : memref<1x64xi32, #tpu.memory_space<vmem>> -> memref<64xi32, #tpu.memory_space<vmem>>
    %dma_wait3A_560 = arith.constant 0 : i32
    %dma_wait3A_561 = arith.constant 0 : i32
    %dma_wait3A_562 = tpu.memref_slice %arg2[%dma_wait3A_560, %dma_wait3A_561] : memref<32768x32xf32, #tpu.memory_space<hbm>> -> memref<32768x32xf32, #tpu.memory_space<hbm>>
    tpu.wait_indirect_dma semaphore(%arg7 : memref<!tpu.dma_semaphore, #tpu.memory_space<semaphore_mem>>) src(%dma_wait3A_562 : memref<32768x32xf32, #tpu.memory_space<hbm>>) dst(%dma_wait3A_556 : memref<64x32xf32, #tpu.memory_space<vmem>>)
    %dma_wait3A_563 = arith.constant 15 : i32
    %dma_wait3A_564 = arith.constant 15 : i32
    %dma_wait3A_565 = arith.constant 0 : i32
    %dma_wait3A_566 = arith.constant 0 : i32
    %dma_wait3A_567 = tpu.memref_slice %arg6[%dma_wait3A_564, %dma_wait3A_565, %dma_wait3A_566] : memref<32x64x32xf32, #tpu.memory_space<vmem>> -> memref<1x64x32xf32, #tpu.memory_space<vmem>>
    %dma_wait3A_568 = tpu.memref_squeeze %dma_wait3A_567 : memref<1x64x32xf32, #tpu.memory_space<vmem>> -> memref<64x32xf32, #tpu.memory_space<vmem>>
    %dma_wait3A_569 = arith.constant 0 : i32
    %dma_wait3A_570 = tpu.memref_slice %arg5[%dma_wait3A_563, %dma_wait3A_569] : memref<32x64xi32, #tpu.memory_space<vmem>> -> memref<1x64xi32, #tpu.memory_space<vmem>>
    %dma_wait3A_571 = tpu.memref_squeeze %dma_wait3A_570 : memref<1x64xi32, #tpu.memory_space<vmem>> -> memref<64xi32, #tpu.memory_space<vmem>>
    %dma_wait3A_572 = arith.constant 0 : i32
    %dma_wait3A_573 = arith.constant 0 : i32
    %dma_wait3A_574 = tpu.memref_slice %arg2[%dma_wait3A_572, %dma_wait3A_573] : memref<32768x32xf32, #tpu.memory_space<hbm>> -> memref<32768x32xf32, #tpu.memory_space<hbm>>
    tpu.wait_indirect_dma semaphore(%arg7 : memref<!tpu.dma_semaphore, #tpu.memory_space<semaphore_mem>>) src(%dma_wait3A_574 : memref<32768x32xf32, #tpu.memory_space<hbm>>) dst(%dma_wait3A_568 : memref<64x32xf32, #tpu.memory_space<vmem>>)
    %dma_wait3A_575 = arith.constant 16 : i32
    %dma_wait3A_576 = arith.constant 16 : i32
    %dma_wait3A_577 = arith.constant 0 : i32
    %dma_wait3A_578 = arith.constant 0 : i32
    %dma_wait3A_579 = tpu.memref_slice %arg6[%dma_wait3A_576, %dma_wait3A_577, %dma_wait3A_578] : memref<32x64x32xf32, #tpu.memory_space<vmem>> -> memref<1x64x32xf32, #tpu.memory_space<vmem>>
    %dma_wait3A_580 = tpu.memref_squeeze %dma_wait3A_579 : memref<1x64x32xf32, #tpu.memory_space<vmem>> -> memref<64x32xf32, #tpu.memory_space<vmem>>
    %dma_wait3A_581 = arith.constant 0 : i32
    %dma_wait3A_582 = tpu.memref_slice %arg5[%dma_wait3A_575, %dma_wait3A_581] : memref<32x64xi32, #tpu.memory_space<vmem>> -> memref<1x64xi32, #tpu.memory_space<vmem>>
    %dma_wait3A_583 = tpu.memref_squeeze %dma_wait3A_582 : memref<1x64xi32, #tpu.memory_space<vmem>> -> memref<64xi32, #tpu.memory_space<vmem>>
    %dma_wait3A_584 = arith.constant 0 : i32
    %dma_wait3A_585 = arith.constant 0 : i32
    %dma_wait3A_586 = tpu.memref_slice %arg2[%dma_wait3A_584, %dma_wait3A_585] : memref<32768x32xf32, #tpu.memory_space<hbm>> -> memref<32768x32xf32, #tpu.memory_space<hbm>>
    tpu.wait_indirect_dma semaphore(%arg7 : memref<!tpu.dma_semaphore, #tpu.memory_space<semaphore_mem>>) src(%dma_wait3A_586 : memref<32768x32xf32, #tpu.memory_space<hbm>>) dst(%dma_wait3A_580 : memref<64x32xf32, #tpu.memory_space<vmem>>)
    %dma_wait3A_587 = arith.constant 17 : i32
    %dma_wait3A_588 = arith.constant 17 : i32
    %dma_wait3A_589 = arith.constant 0 : i32
    %dma_wait3A_590 = arith.constant 0 : i32
    %dma_wait3A_591 = tpu.memref_slice %arg6[%dma_wait3A_588, %dma_wait3A_589, %dma_wait3A_590] : memref<32x64x32xf32, #tpu.memory_space<vmem>> -> memref<1x64x32xf32, #tpu.memory_space<vmem>>
    %dma_wait3A_592 = tpu.memref_squeeze %dma_wait3A_591 : memref<1x64x32xf32, #tpu.memory_space<vmem>> -> memref<64x32xf32, #tpu.memory_space<vmem>>
    %dma_wait3A_593 = arith.constant 0 : i32
    %dma_wait3A_594 = tpu.memref_slice %arg5[%dma_wait3A_587, %dma_wait3A_593] : memref<32x64xi32, #tpu.memory_space<vmem>> -> memref<1x64xi32, #tpu.memory_space<vmem>>
    %dma_wait3A_595 = tpu.memref_squeeze %dma_wait3A_594 : memref<1x64xi32, #tpu.memory_space<vmem>> -> memref<64xi32, #tpu.memory_space<vmem>>
    %dma_wait3A_596 = arith.constant 0 : i32
    %dma_wait3A_597 = arith.constant 0 : i32
    %dma_wait3A_598 = tpu.memref_slice %arg2[%dma_wait3A_596, %dma_wait3A_597] : memref<32768x32xf32, #tpu.memory_space<hbm>> -> memref<32768x32xf32, #tpu.memory_space<hbm>>
    tpu.wait_indirect_dma semaphore(%arg7 : memref<!tpu.dma_semaphore, #tpu.memory_space<semaphore_mem>>) src(%dma_wait3A_598 : memref<32768x32xf32, #tpu.memory_space<hbm>>) dst(%dma_wait3A_592 : memref<64x32xf32, #tpu.memory_space<vmem>>)
    %dma_wait3A_599 = arith.constant 18 : i32
    %dma_wait3A_600 = arith.constant 18 : i32
    %dma_wait3A_601 = arith.constant 0 : i32
    %dma_wait3A_602 = arith.constant 0 : i32
    %dma_wait3A_603 = tpu.memref_slice %arg6[%dma_wait3A_600, %dma_wait3A_601, %dma_wait3A_602] : memref<32x64x32xf32, #tpu.memory_space<vmem>> -> memref<1x64x32xf32, #tpu.memory_space<vmem>>
    %dma_wait3A_604 = tpu.memref_squeeze %dma_wait3A_603 : memref<1x64x32xf32, #tpu.memory_space<vmem>> -> memref<64x32xf32, #tpu.memory_space<vmem>>
    %dma_wait3A_605 = arith.constant 0 : i32
    %dma_wait3A_606 = tpu.memref_slice %arg5[%dma_wait3A_599, %dma_wait3A_605] : memref<32x64xi32, #tpu.memory_space<vmem>> -> memref<1x64xi32, #tpu.memory_space<vmem>>
    %dma_wait3A_607 = tpu.memref_squeeze %dma_wait3A_606 : memref<1x64xi32, #tpu.memory_space<vmem>> -> memref<64xi32, #tpu.memory_space<vmem>>
    %dma_wait3A_608 = arith.constant 0 : i32
    %dma_wait3A_609 = arith.constant 0 : i32
    %dma_wait3A_610 = tpu.memref_slice %arg2[%dma_wait3A_608, %dma_wait3A_609] : memref<32768x32xf32, #tpu.memory_space<hbm>> -> memref<32768x32xf32, #tpu.memory_space<hbm>>
    tpu.wait_indirect_dma semaphore(%arg7 : memref<!tpu.dma_semaphore, #tpu.memory_space<semaphore_mem>>) src(%dma_wait3A_610 : memref<32768x32xf32, #tpu.memory_space<hbm>>) dst(%dma_wait3A_604 : memref<64x32xf32, #tpu.memory_space<vmem>>)
    %dma_wait3A_611 = arith.constant 19 : i32
    %dma_wait3A_612 = arith.constant 19 : i32
    %dma_wait3A_613 = arith.constant 0 : i32
    %dma_wait3A_614 = arith.constant 0 : i32
    %dma_wait3A_615 = tpu.memref_slice %arg6[%dma_wait3A_612, %dma_wait3A_613, %dma_wait3A_614] : memref<32x64x32xf32, #tpu.memory_space<vmem>> -> memref<1x64x32xf32, #tpu.memory_space<vmem>>
    %dma_wait3A_616 = tpu.memref_squeeze %dma_wait3A_615 : memref<1x64x32xf32, #tpu.memory_space<vmem>> -> memref<64x32xf32, #tpu.memory_space<vmem>>
    %dma_wait3A_617 = arith.constant 0 : i32
    %dma_wait3A_618 = tpu.memref_slice %arg5[%dma_wait3A_611, %dma_wait3A_617] : memref<32x64xi32, #tpu.memory_space<vmem>> -> memref<1x64xi32, #tpu.memory_space<vmem>>
    %dma_wait3A_619 = tpu.memref_squeeze %dma_wait3A_618 : memref<1x64xi32, #tpu.memory_space<vmem>> -> memref<64xi32, #tpu.memory_space<vmem>>
    %dma_wait3A_620 = arith.constant 0 : i32
    %dma_wait3A_621 = arith.constant 0 : i32
    %dma_wait3A_622 = tpu.memref_slice %arg2[%dma_wait3A_620, %dma_wait3A_621] : memref<32768x32xf32, #tpu.memory_space<hbm>> -> memref<32768x32xf32, #tpu.memory_space<hbm>>
    tpu.wait_indirect_dma semaphore(%arg7 : memref<!tpu.dma_semaphore, #tpu.memory_space<semaphore_mem>>) src(%dma_wait3A_622 : memref<32768x32xf32, #tpu.memory_space<hbm>>) dst(%dma_wait3A_616 : memref<64x32xf32, #tpu.memory_space<vmem>>)
    %dma_wait3A_623 = arith.constant 20 : i32
    %dma_wait3A_624 = arith.constant 20 : i32
    %dma_wait3A_625 = arith.constant 0 : i32
    %dma_wait3A_626 = arith.constant 0 : i32
    %dma_wait3A_627 = tpu.memref_slice %arg6[%dma_wait3A_624, %dma_wait3A_625, %dma_wait3A_626] : memref<32x64x32xf32, #tpu.memory_space<vmem>> -> memref<1x64x32xf32, #tpu.memory_space<vmem>>
    %dma_wait3A_628 = tpu.memref_squeeze %dma_wait3A_627 : memref<1x64x32xf32, #tpu.memory_space<vmem>> -> memref<64x32xf32, #tpu.memory_space<vmem>>
    %dma_wait3A_629 = arith.constant 0 : i32
    %dma_wait3A_630 = tpu.memref_slice %arg5[%dma_wait3A_623, %dma_wait3A_629] : memref<32x64xi32, #tpu.memory_space<vmem>> -> memref<1x64xi32, #tpu.memory_space<vmem>>
    %dma_wait3A_631 = tpu.memref_squeeze %dma_wait3A_630 : memref<1x64xi32, #tpu.memory_space<vmem>> -> memref<64xi32, #tpu.memory_space<vmem>>
    %dma_wait3A_632 = arith.constant 0 : i32
    %dma_wait3A_633 = arith.constant 0 : i32
    %dma_wait3A_634 = tpu.memref_slice %arg2[%dma_wait3A_632, %dma_wait3A_633] : memref<32768x32xf32, #tpu.memory_space<hbm>> -> memref<32768x32xf32, #tpu.memory_space<hbm>>
    tpu.wait_indirect_dma semaphore(%arg7 : memref<!tpu.dma_semaphore, #tpu.memory_space<semaphore_mem>>) src(%dma_wait3A_634 : memref<32768x32xf32, #tpu.memory_space<hbm>>) dst(%dma_wait3A_628 : memref<64x32xf32, #tpu.memory_space<vmem>>)
    %dma_wait3A_635 = arith.constant 21 : i32
    %dma_wait3A_636 = arith.constant 21 : i32
    %dma_wait3A_637 = arith.constant 0 : i32
    %dma_wait3A_638 = arith.constant 0 : i32
    %dma_wait3A_639 = tpu.memref_slice %arg6[%dma_wait3A_636, %dma_wait3A_637, %dma_wait3A_638] : memref<32x64x32xf32, #tpu.memory_space<vmem>> -> memref<1x64x32xf32, #tpu.memory_space<vmem>>
    %dma_wait3A_640 = tpu.memref_squeeze %dma_wait3A_639 : memref<1x64x32xf32, #tpu.memory_space<vmem>> -> memref<64x32xf32, #tpu.memory_space<vmem>>
    %dma_wait3A_641 = arith.constant 0 : i32
    %dma_wait3A_642 = tpu.memref_slice %arg5[%dma_wait3A_635, %dma_wait3A_641] : memref<32x64xi32, #tpu.memory_space<vmem>> -> memref<1x64xi32, #tpu.memory_space<vmem>>
    %dma_wait3A_643 = tpu.memref_squeeze %dma_wait3A_642 : memref<1x64xi32, #tpu.memory_space<vmem>> -> memref<64xi32, #tpu.memory_space<vmem>>
    %dma_wait3A_644 = arith.constant 0 : i32
    %dma_wait3A_645 = arith.constant 0 : i32
    %dma_wait3A_646 = tpu.memref_slice %arg2[%dma_wait3A_644, %dma_wait3A_645] : memref<32768x32xf32, #tpu.memory_space<hbm>> -> memref<32768x32xf32, #tpu.memory_space<hbm>>
    tpu.wait_indirect_dma semaphore(%arg7 : memref<!tpu.dma_semaphore, #tpu.memory_space<semaphore_mem>>) src(%dma_wait3A_646 : memref<32768x32xf32, #tpu.memory_space<hbm>>) dst(%dma_wait3A_640 : memref<64x32xf32, #tpu.memory_space<vmem>>)
    %dma_wait3A_647 = arith.constant 22 : i32
    %dma_wait3A_648 = arith.constant 22 : i32
    %dma_wait3A_649 = arith.constant 0 : i32
    %dma_wait3A_650 = arith.constant 0 : i32
    %dma_wait3A_651 = tpu.memref_slice %arg6[%dma_wait3A_648, %dma_wait3A_649, %dma_wait3A_650] : memref<32x64x32xf32, #tpu.memory_space<vmem>> -> memref<1x64x32xf32, #tpu.memory_space<vmem>>
    %dma_wait3A_652 = tpu.memref_squeeze %dma_wait3A_651 : memref<1x64x32xf32, #tpu.memory_space<vmem>> -> memref<64x32xf32, #tpu.memory_space<vmem>>
    %dma_wait3A_653 = arith.constant 0 : i32
    %dma_wait3A_654 = tpu.memref_slice %arg5[%dma_wait3A_647, %dma_wait3A_653] : memref<32x64xi32, #tpu.memory_space<vmem>> -> memref<1x64xi32, #tpu.memory_space<vmem>>
    %dma_wait3A_655 = tpu.memref_squeeze %dma_wait3A_654 : memref<1x64xi32, #tpu.memory_space<vmem>> -> memref<64xi32, #tpu.memory_space<vmem>>
    %dma_wait3A_656 = arith.constant 0 : i32
    %dma_wait3A_657 = arith.constant 0 : i32
    %dma_wait3A_658 = tpu.memref_slice %arg2[%dma_wait3A_656, %dma_wait3A_657] : memref<32768x32xf32, #tpu.memory_space<hbm>> -> memref<32768x32xf32, #tpu.memory_space<hbm>>
    tpu.wait_indirect_dma semaphore(%arg7 : memref<!tpu.dma_semaphore, #tpu.memory_space<semaphore_mem>>) src(%dma_wait3A_658 : memref<32768x32xf32, #tpu.memory_space<hbm>>) dst(%dma_wait3A_652 : memref<64x32xf32, #tpu.memory_space<vmem>>)
    %dma_wait3A_659 = arith.constant 23 : i32
    %dma_wait3A_660 = arith.constant 23 : i32
    %dma_wait3A_661 = arith.constant 0 : i32
    %dma_wait3A_662 = arith.constant 0 : i32
    %dma_wait3A_663 = tpu.memref_slice %arg6[%dma_wait3A_660, %dma_wait3A_661, %dma_wait3A_662] : memref<32x64x32xf32, #tpu.memory_space<vmem>> -> memref<1x64x32xf32, #tpu.memory_space<vmem>>
    %dma_wait3A_664 = tpu.memref_squeeze %dma_wait3A_663 : memref<1x64x32xf32, #tpu.memory_space<vmem>> -> memref<64x32xf32, #tpu.memory_space<vmem>>
    %dma_wait3A_665 = arith.constant 0 : i32
    %dma_wait3A_666 = tpu.memref_slice %arg5[%dma_wait3A_659, %dma_wait3A_665] : memref<32x64xi32, #tpu.memory_space<vmem>> -> memref<1x64xi32, #tpu.memory_space<vmem>>
    %dma_wait3A_667 = tpu.memref_squeeze %dma_wait3A_666 : memref<1x64xi32, #tpu.memory_space<vmem>> -> memref<64xi32, #tpu.memory_space<vmem>>
    %dma_wait3A_668 = arith.constant 0 : i32
    %dma_wait3A_669 = arith.constant 0 : i32
    %dma_wait3A_670 = tpu.memref_slice %arg2[%dma_wait3A_668, %dma_wait3A_669] : memref<32768x32xf32, #tpu.memory_space<hbm>> -> memref<32768x32xf32, #tpu.memory_space<hbm>>
    tpu.wait_indirect_dma semaphore(%arg7 : memref<!tpu.dma_semaphore, #tpu.memory_space<semaphore_mem>>) src(%dma_wait3A_670 : memref<32768x32xf32, #tpu.memory_space<hbm>>) dst(%dma_wait3A_664 : memref<64x32xf32, #tpu.memory_space<vmem>>)
    %dma_wait3A_671 = arith.constant 24 : i32
    %dma_wait3A_672 = arith.constant 24 : i32
    %dma_wait3A_673 = arith.constant 0 : i32
    %dma_wait3A_674 = arith.constant 0 : i32
    %dma_wait3A_675 = tpu.memref_slice %arg6[%dma_wait3A_672, %dma_wait3A_673, %dma_wait3A_674] : memref<32x64x32xf32, #tpu.memory_space<vmem>> -> memref<1x64x32xf32, #tpu.memory_space<vmem>>
    %dma_wait3A_676 = tpu.memref_squeeze %dma_wait3A_675 : memref<1x64x32xf32, #tpu.memory_space<vmem>> -> memref<64x32xf32, #tpu.memory_space<vmem>>
    %dma_wait3A_677 = arith.constant 0 : i32
    %dma_wait3A_678 = tpu.memref_slice %arg5[%dma_wait3A_671, %dma_wait3A_677] : memref<32x64xi32, #tpu.memory_space<vmem>> -> memref<1x64xi32, #tpu.memory_space<vmem>>
    %dma_wait3A_679 = tpu.memref_squeeze %dma_wait3A_678 : memref<1x64xi32, #tpu.memory_space<vmem>> -> memref<64xi32, #tpu.memory_space<vmem>>
    %dma_wait3A_680 = arith.constant 0 : i32
    %dma_wait3A_681 = arith.constant 0 : i32
    %dma_wait3A_682 = tpu.memref_slice %arg2[%dma_wait3A_680, %dma_wait3A_681] : memref<32768x32xf32, #tpu.memory_space<hbm>> -> memref<32768x32xf32, #tpu.memory_space<hbm>>
    tpu.wait_indirect_dma semaphore(%arg7 : memref<!tpu.dma_semaphore, #tpu.memory_space<semaphore_mem>>) src(%dma_wait3A_682 : memref<32768x32xf32, #tpu.memory_space<hbm>>) dst(%dma_wait3A_676 : memref<64x32xf32, #tpu.memory_space<vmem>>)
    %dma_wait3A_683 = arith.constant 25 : i32
    %dma_wait3A_684 = arith.constant 25 : i32
    %dma_wait3A_685 = arith.constant 0 : i32
    %dma_wait3A_686 = arith.constant 0 : i32
    %dma_wait3A_687 = tpu.memref_slice %arg6[%dma_wait3A_684, %dma_wait3A_685, %dma_wait3A_686] : memref<32x64x32xf32, #tpu.memory_space<vmem>> -> memref<1x64x32xf32, #tpu.memory_space<vmem>>
    %dma_wait3A_688 = tpu.memref_squeeze %dma_wait3A_687 : memref<1x64x32xf32, #tpu.memory_space<vmem>> -> memref<64x32xf32, #tpu.memory_space<vmem>>
    %dma_wait3A_689 = arith.constant 0 : i32
    %dma_wait3A_690 = tpu.memref_slice %arg5[%dma_wait3A_683, %dma_wait3A_689] : memref<32x64xi32, #tpu.memory_space<vmem>> -> memref<1x64xi32, #tpu.memory_space<vmem>>
    %dma_wait3A_691 = tpu.memref_squeeze %dma_wait3A_690 : memref<1x64xi32, #tpu.memory_space<vmem>> -> memref<64xi32, #tpu.memory_space<vmem>>
    %dma_wait3A_692 = arith.constant 0 : i32
    %dma_wait3A_693 = arith.constant 0 : i32
    %dma_wait3A_694 = tpu.memref_slice %arg2[%dma_wait3A_692, %dma_wait3A_693] : memref<32768x32xf32, #tpu.memory_space<hbm>> -> memref<32768x32xf32, #tpu.memory_space<hbm>>
    tpu.wait_indirect_dma semaphore(%arg7 : memref<!tpu.dma_semaphore, #tpu.memory_space<semaphore_mem>>) src(%dma_wait3A_694 : memref<32768x32xf32, #tpu.memory_space<hbm>>) dst(%dma_wait3A_688 : memref<64x32xf32, #tpu.memory_space<vmem>>)
    %dma_wait3A_695 = arith.constant 26 : i32
    %dma_wait3A_696 = arith.constant 26 : i32
    %dma_wait3A_697 = arith.constant 0 : i32
    %dma_wait3A_698 = arith.constant 0 : i32
    %dma_wait3A_699 = tpu.memref_slice %arg6[%dma_wait3A_696, %dma_wait3A_697, %dma_wait3A_698] : memref<32x64x32xf32, #tpu.memory_space<vmem>> -> memref<1x64x32xf32, #tpu.memory_space<vmem>>
    %dma_wait3A_700 = tpu.memref_squeeze %dma_wait3A_699 : memref<1x64x32xf32, #tpu.memory_space<vmem>> -> memref<64x32xf32, #tpu.memory_space<vmem>>
    %dma_wait3A_701 = arith.constant 0 : i32
    %dma_wait3A_702 = tpu.memref_slice %arg5[%dma_wait3A_695, %dma_wait3A_701] : memref<32x64xi32, #tpu.memory_space<vmem>> -> memref<1x64xi32, #tpu.memory_space<vmem>>
    %dma_wait3A_703 = tpu.memref_squeeze %dma_wait3A_702 : memref<1x64xi32, #tpu.memory_space<vmem>> -> memref<64xi32, #tpu.memory_space<vmem>>
    %dma_wait3A_704 = arith.constant 0 : i32
    %dma_wait3A_705 = arith.constant 0 : i32
    %dma_wait3A_706 = tpu.memref_slice %arg2[%dma_wait3A_704, %dma_wait3A_705] : memref<32768x32xf32, #tpu.memory_space<hbm>> -> memref<32768x32xf32, #tpu.memory_space<hbm>>
    tpu.wait_indirect_dma semaphore(%arg7 : memref<!tpu.dma_semaphore, #tpu.memory_space<semaphore_mem>>) src(%dma_wait3A_706 : memref<32768x32xf32, #tpu.memory_space<hbm>>) dst(%dma_wait3A_700 : memref<64x32xf32, #tpu.memory_space<vmem>>)
    %dma_wait3A_707 = arith.constant 27 : i32
    %dma_wait3A_708 = arith.constant 27 : i32
    %dma_wait3A_709 = arith.constant 0 : i32
    %dma_wait3A_710 = arith.constant 0 : i32
    %dma_wait3A_711 = tpu.memref_slice %arg6[%dma_wait3A_708, %dma_wait3A_709, %dma_wait3A_710] : memref<32x64x32xf32, #tpu.memory_space<vmem>> -> memref<1x64x32xf32, #tpu.memory_space<vmem>>
    %dma_wait3A_712 = tpu.memref_squeeze %dma_wait3A_711 : memref<1x64x32xf32, #tpu.memory_space<vmem>> -> memref<64x32xf32, #tpu.memory_space<vmem>>
    %dma_wait3A_713 = arith.constant 0 : i32
    %dma_wait3A_714 = tpu.memref_slice %arg5[%dma_wait3A_707, %dma_wait3A_713] : memref<32x64xi32, #tpu.memory_space<vmem>> -> memref<1x64xi32, #tpu.memory_space<vmem>>
    %dma_wait3A_715 = tpu.memref_squeeze %dma_wait3A_714 : memref<1x64xi32, #tpu.memory_space<vmem>> -> memref<64xi32, #tpu.memory_space<vmem>>
    %dma_wait3A_716 = arith.constant 0 : i32
    %dma_wait3A_717 = arith.constant 0 : i32
    %dma_wait3A_718 = tpu.memref_slice %arg2[%dma_wait3A_716, %dma_wait3A_717] : memref<32768x32xf32, #tpu.memory_space<hbm>> -> memref<32768x32xf32, #tpu.memory_space<hbm>>
    tpu.wait_indirect_dma semaphore(%arg7 : memref<!tpu.dma_semaphore, #tpu.memory_space<semaphore_mem>>) src(%dma_wait3A_718 : memref<32768x32xf32, #tpu.memory_space<hbm>>) dst(%dma_wait3A_712 : memref<64x32xf32, #tpu.memory_space<vmem>>)
    %dma_wait3A_719 = arith.constant 28 : i32
    %dma_wait3A_720 = arith.constant 28 : i32
    %dma_wait3A_721 = arith.constant 0 : i32
    %dma_wait3A_722 = arith.constant 0 : i32
    %dma_wait3A_723 = tpu.memref_slice %arg6[%dma_wait3A_720, %dma_wait3A_721, %dma_wait3A_722] : memref<32x64x32xf32, #tpu.memory_space<vmem>> -> memref<1x64x32xf32, #tpu.memory_space<vmem>>
    %dma_wait3A_724 = tpu.memref_squeeze %dma_wait3A_723 : memref<1x64x32xf32, #tpu.memory_space<vmem>> -> memref<64x32xf32, #tpu.memory_space<vmem>>
    %dma_wait3A_725 = arith.constant 0 : i32
    %dma_wait3A_726 = tpu.memref_slice %arg5[%dma_wait3A_719, %dma_wait3A_725] : memref<32x64xi32, #tpu.memory_space<vmem>> -> memref<1x64xi32, #tpu.memory_space<vmem>>
    %dma_wait3A_727 = tpu.memref_squeeze %dma_wait3A_726 : memref<1x64xi32, #tpu.memory_space<vmem>> -> memref<64xi32, #tpu.memory_space<vmem>>
    %dma_wait3A_728 = arith.constant 0 : i32
    %dma_wait3A_729 = arith.constant 0 : i32
    %dma_wait3A_730 = tpu.memref_slice %arg2[%dma_wait3A_728, %dma_wait3A_729] : memref<32768x32xf32, #tpu.memory_space<hbm>> -> memref<32768x32xf32, #tpu.memory_space<hbm>>
    tpu.wait_indirect_dma semaphore(%arg7 : memref<!tpu.dma_semaphore, #tpu.memory_space<semaphore_mem>>) src(%dma_wait3A_730 : memref<32768x32xf32, #tpu.memory_space<hbm>>) dst(%dma_wait3A_724 : memref<64x32xf32, #tpu.memory_space<vmem>>)
    %dma_wait3A_731 = arith.constant 29 : i32
    %dma_wait3A_732 = arith.constant 29 : i32
    %dma_wait3A_733 = arith.constant 0 : i32
    %dma_wait3A_734 = arith.constant 0 : i32
    %dma_wait3A_735 = tpu.memref_slice %arg6[%dma_wait3A_732, %dma_wait3A_733, %dma_wait3A_734] : memref<32x64x32xf32, #tpu.memory_space<vmem>> -> memref<1x64x32xf32, #tpu.memory_space<vmem>>
    %dma_wait3A_736 = tpu.memref_squeeze %dma_wait3A_735 : memref<1x64x32xf32, #tpu.memory_space<vmem>> -> memref<64x32xf32, #tpu.memory_space<vmem>>
    %dma_wait3A_737 = arith.constant 0 : i32
    %dma_wait3A_738 = tpu.memref_slice %arg5[%dma_wait3A_731, %dma_wait3A_737] : memref<32x64xi32, #tpu.memory_space<vmem>> -> memref<1x64xi32, #tpu.memory_space<vmem>>
    %dma_wait3A_739 = tpu.memref_squeeze %dma_wait3A_738 : memref<1x64xi32, #tpu.memory_space<vmem>> -> memref<64xi32, #tpu.memory_space<vmem>>
    %dma_wait3A_740 = arith.constant 0 : i32
    %dma_wait3A_741 = arith.constant 0 : i32
    %dma_wait3A_742 = tpu.memref_slice %arg2[%dma_wait3A_740, %dma_wait3A_741] : memref<32768x32xf32, #tpu.memory_space<hbm>> -> memref<32768x32xf32, #tpu.memory_space<hbm>>
    tpu.wait_indirect_dma semaphore(%arg7 : memref<!tpu.dma_semaphore, #tpu.memory_space<semaphore_mem>>) src(%dma_wait3A_742 : memref<32768x32xf32, #tpu.memory_space<hbm>>) dst(%dma_wait3A_736 : memref<64x32xf32, #tpu.memory_space<vmem>>)
    %dma_wait3A_743 = arith.constant 30 : i32
    %dma_wait3A_744 = arith.constant 30 : i32
    %dma_wait3A_745 = arith.constant 0 : i32
    %dma_wait3A_746 = arith.constant 0 : i32
    %dma_wait3A_747 = tpu.memref_slice %arg6[%dma_wait3A_744, %dma_wait3A_745, %dma_wait3A_746] : memref<32x64x32xf32, #tpu.memory_space<vmem>> -> memref<1x64x32xf32, #tpu.memory_space<vmem>>
    %dma_wait3A_748 = tpu.memref_squeeze %dma_wait3A_747 : memref<1x64x32xf32, #tpu.memory_space<vmem>> -> memref<64x32xf32, #tpu.memory_space<vmem>>
    %dma_wait3A_749 = arith.constant 0 : i32
    %dma_wait3A_750 = tpu.memref_slice %arg5[%dma_wait3A_743, %dma_wait3A_749] : memref<32x64xi32, #tpu.memory_space<vmem>> -> memref<1x64xi32, #tpu.memory_space<vmem>>
    %dma_wait3A_751 = tpu.memref_squeeze %dma_wait3A_750 : memref<1x64xi32, #tpu.memory_space<vmem>> -> memref<64xi32, #tpu.memory_space<vmem>>
    %dma_wait3A_752 = arith.constant 0 : i32
    %dma_wait3A_753 = arith.constant 0 : i32
    %dma_wait3A_754 = tpu.memref_slice %arg2[%dma_wait3A_752, %dma_wait3A_753] : memref<32768x32xf32, #tpu.memory_space<hbm>> -> memref<32768x32xf32, #tpu.memory_space<hbm>>
    tpu.wait_indirect_dma semaphore(%arg7 : memref<!tpu.dma_semaphore, #tpu.memory_space<semaphore_mem>>) src(%dma_wait3A_754 : memref<32768x32xf32, #tpu.memory_space<hbm>>) dst(%dma_wait3A_748 : memref<64x32xf32, #tpu.memory_space<vmem>>)
    %dma_wait3A_755 = arith.constant 31 : i32
    %dma_wait3A_756 = arith.constant 31 : i32
    %dma_wait3A_757 = arith.constant 0 : i32
    %dma_wait3A_758 = arith.constant 0 : i32
    %dma_wait3A_759 = tpu.memref_slice %arg6[%dma_wait3A_756, %dma_wait3A_757, %dma_wait3A_758] : memref<32x64x32xf32, #tpu.memory_space<vmem>> -> memref<1x64x32xf32, #tpu.memory_space<vmem>>
    %dma_wait3A_760 = tpu.memref_squeeze %dma_wait3A_759 : memref<1x64x32xf32, #tpu.memory_space<vmem>> -> memref<64x32xf32, #tpu.memory_space<vmem>>
    %dma_wait3A_761 = arith.constant 0 : i32
    %dma_wait3A_762 = tpu.memref_slice %arg5[%dma_wait3A_755, %dma_wait3A_761] : memref<32x64xi32, #tpu.memory_space<vmem>> -> memref<1x64xi32, #tpu.memory_space<vmem>>
    %dma_wait3A_763 = tpu.memref_squeeze %dma_wait3A_762 : memref<1x64xi32, #tpu.memory_space<vmem>> -> memref<64xi32, #tpu.memory_space<vmem>>
    %dma_wait3A_764 = arith.constant 0 : i32
    %dma_wait3A_765 = arith.constant 0 : i32
    %dma_wait3A_766 = tpu.memref_slice %arg2[%dma_wait3A_764, %dma_wait3A_765] : memref<32768x32xf32, #tpu.memory_space<hbm>> -> memref<32768x32xf32, #tpu.memory_space<hbm>>
    tpu.wait_indirect_dma semaphore(%arg7 : memref<!tpu.dma_semaphore, #tpu.memory_space<semaphore_mem>>) src(%dma_wait3A_766 : memref<32768x32xf32, #tpu.memory_space<hbm>>) dst(%dma_wait3A_760 : memref<64x32xf32, #tpu.memory_space<vmem>>)
    %mul3A_767 = arith.constant 32 : i32
    %mul3A_768 = arith.muli %add3A, %mul3A_767 : i32
    "tpu.region"() ({
      %run_scoped3A = tpu.sem_alloc : memref<!tpu.dma_semaphore, #tpu.memory_space<semaphore_mem>>
      %dma_start3A_769 = arith.constant 0 : i32
      %dma_start3A_770 = arith.constant 0 : i32
      %dma_start3A_771 = tpu.memref_slice %arg4[%mul3A_768, %dma_start3A_769, %dma_start3A_770] : memref<1024x64x32xf32, #tpu.memory_space<hbm>> -> memref<32x64x32xf32, #tpu.memory_space<hbm>>
      %dma_start3A_772 = arith.constant 0 : i32
      %dma_start3A_773 = arith.constant 0 : i32
      %dma_start3A_774 = tpu.memref_slice %arg4[%mul3A_768, %dma_start3A_772, %dma_start3A_773] : memref<1024x64x32xf32, #tpu.memory_space<hbm>> -> memref<32x64x32xf32, #tpu.memory_space<hbm>>
      tpu.enqueue_dma source(%arg6 : memref<32x64x32xf32, #tpu.memory_space<vmem>>) target(%dma_start3A_774 : memref<32x64x32xf32, #tpu.memory_space<hbm>>) target_semaphore(%run_scoped3A : memref<!tpu.dma_semaphore, #tpu.memory_space<semaphore_mem>>)
      %dma_wait3A_775 = arith.constant 0 : i32
      %dma_wait3A_776 = arith.constant 0 : i32
      %dma_wait3A_777 = tpu.memref_slice %arg4[%mul3A_768, %dma_wait3A_775, %dma_wait3A_776] : memref<1024x64x32xf32, #tpu.memory_space<hbm>> -> memref<32x64x32xf32, #tpu.memory_space<hbm>>
      %dma_wait3A_778 = arith.constant 0 : i32
      %dma_wait3A_779 = arith.constant 0 : i32
      %dma_wait3A_780 = tpu.memref_slice %arg4[%mul3A_768, %dma_wait3A_778, %dma_wait3A_779] : memref<1024x64x32xf32, #tpu.memory_space<hbm>> -> memref<32x64x32xf32, #tpu.memory_space<hbm>>
      tpu.wait_dma2 semaphore(%run_scoped3A : memref<!tpu.dma_semaphore, #tpu.memory_space<semaphore_mem>>) src(%arg6 : memref<32x64x32xf32, #tpu.memory_space<vmem>>) dst(%dma_wait3A_780 : memref<32x64x32xf32, #tpu.memory_space<hbm>>)
      tpu.yield
    }) : () -> ()
    return
  }
}

module attributes {stable_mosaic.version = 14 : i64} {
  func.func @_assign_body(%arg0: i32, %arg1: memref<8x1024x32xf32, #tpu.memory_space<vmem>>, %arg2: memref<8x512x32xf32, #tpu.memory_space<vmem>>, %arg3: memref<8x1x1024xi32, #tpu.memory_space<vmem>>, %arg4: memref<8x1x1024xi32, #tpu.memory_space<vmem>>, %arg5: memref<1x1xf32, #tpu.memory_space<vmem>>) attributes {dimension_semantics = [#tpu.dimension_semantics<arbitrary>], iteration_bounds = array<i64: 8>, scalar_prefetch = 0 : i64, scratch_operands = 0 : i64, tpu.core_type = #tpu.core_type<tc>, window_params = [{transform_indices = @transform_0, window_bounds = array<i64: 8, 1024, 32>}, {transform_indices = @transform_1, window_bounds = array<i64: 8, 512, 32>}, {transform_indices = @transform_2, window_bounds = array<i64: 8, 1, 1024>}, {transform_indices = @transform_3, window_bounds = array<i64: 8, 1, 1024>}, {pipeline_mode = #tpu.pipeline_mode<synchronous>, transform_indices = @transform_4, window_bounds = array<i64: 1, 1>}]} {
    %mul3A = arith.constant 8 : i32
    %mul3A_0 = arith.muli %arg0, %mul3A : i32
    %add3A = arith.constant 0 : i32
    %add3A_1 = arith.addi %mul3A_0, %add3A : i32
    %get3A = arith.constant 0 : index
    %get3A_2 = arith.constant 0 : index
    %get3A_3 = arith.constant 0 : index
    %get3A_4 = vector.load %arg1[%get3A, %get3A_2, %get3A_3] : memref<8x1024x32xf32, #tpu.memory_space<vmem>>, vector<1x1024x32xf32>
    %get3A_5 = vector.shape_cast %get3A_4 : vector<1x1024x32xf32> to vector<1024x32xf32>
    %get3A_6 = arith.constant 0 : index
    %get3A_7 = arith.constant 0 : index
    %get3A_8 = arith.constant 0 : index
    %get3A_9 = vector.load %arg2[%get3A_6, %get3A_7, %get3A_8] : memref<8x512x32xf32, #tpu.memory_space<vmem>>, vector<1x512x32xf32>
    %get3A_10 = vector.shape_cast %get3A_9 : vector<1x512x32xf32> to vector<512x32xf32>
    %mul3A_11 = arith.mulf %get3A_10, %get3A_10 : vector<512x32xf32>
    %reduce_sum3A = arith.constant dense<0.000000e+00> : vector<512xf32>
    %reduce_sum3A_12 = vector.multi_reduction <add>, %mul3A_11, %reduce_sum3A [1] : vector<512x32xf32> to vector<512xf32>
    %broadcast_in_dim3A = vector.shape_cast %reduce_sum3A_12 : vector<512xf32> to vector<512x1xf32>
    %mul3A_13 = arith.constant -2.000000e+00 : f32
    %mul3A_14 = vector.broadcast %mul3A_13 : f32 to vector<512x32xf32>
    %mul3A_15 = arith.mulf %get3A_10, %mul3A_14 : vector<512x32xf32>
    %dot_general3A = arith.constant dense<0.000000e+00> : vector<512x1024xf32>
    %dot_general3A_16 = tpu.matmul %mul3A_15, %get3A_5, %dot_general3A {dimension_numbers = #tpu.dot_dimension_numbers<[1], [1], [0], [0], [0, 0, 1, 0], [], []>, precision = #tpu.contract_precision<fp32>, transpose_lhs_hint = false} : vector<512x32xf32>, vector<1024x32xf32>, vector<512x1024xf32> -> vector<512x1024xf32>
    %add3A_17 = vector.broadcast %broadcast_in_dim3A : vector<512x1xf32> to vector<512x1024xf32>
    %add3A_18 = arith.addf %add3A_17, %dot_general3A_16 : vector<512x1024xf32>
    %reduce_min3A = arith.constant dense<0x7F800000> : vector<1024xf32>
    %reduce_min3A_19 = vector.multi_reduction <minimumf>, %add3A_18, %reduce_min3A [0] : vector<512x1024xf32> to vector<1024xf32>
    %broadcast_in_dim3A_20 = vector.shape_cast %reduce_min3A_19 : vector<1024xf32> to vector<1x1024xf32>
    %iota3A = tpu.iota {dimensions = array<i32: 0>} : vector<512x1024xi32>
    %eq3A = vector.broadcast %broadcast_in_dim3A_20 : vector<1x1024xf32> to vector<512x1024xf32>
    %eq3A_21 = arith.cmpf oeq, %add3A_18, %eq3A : vector<512x1024xf32>
    %jit3A = arith.constant 512 : i32
    %broadcast_in_dim3A_22 = vector.broadcast %jit3A : i32 to vector<512x1024xi32>
    %select_n3A = arith.select %eq3A_21, %iota3A, %broadcast_in_dim3A_22 : vector<512x1024xi1>, vector<512x1024xi32>
    %reduce_min3A_23 = arith.constant dense<2147483647> : vector<1024xi32>
    %reduce_min3A_24 = vector.multi_reduction <minsi>, %select_n3A, %reduce_min3A_23 [0] : vector<512x1024xi32> to vector<1024xi32>
    %swap3A = arith.constant 0 : index
    %swap3A_25 = arith.constant 0 : index
    %swap3A_26 = arith.constant 0 : index
    %swap3A_27 = vector.load %arg3[%swap3A, %swap3A_25, %swap3A_26] : memref<8x1x1024xi32, #tpu.memory_space<vmem>>, vector<1x1x1024xi32>
    %swap3A_28 = vector.shape_cast %swap3A_27 : vector<1x1x1024xi32> to vector<1024xi32>
    %swap3A_29 = vector.shape_cast %reduce_min3A_24 : vector<1024xi32> to vector<1x1x1024xi32>
    tpu.vector_store %arg3[%swap3A, %swap3A_25, %swap3A_26], %swap3A_29 {strides = array<i32>} : memref<8x1x1024xi32, #tpu.memory_space<vmem>>, vector<1x1x1024xi32>,
    %mul3A_30 = arith.constant 512 : i32
    %mul3A_31 = arith.muli %add3A_1, %mul3A_30 : i32
    %add3A_32 = vector.broadcast %mul3A_31 : i32 to vector<1024xi32>
    %add3A_33 = arith.addi %reduce_min3A_24, %add3A_32 : vector<1024xi32>
    %swap3A_34 = arith.constant 0 : index
    %swap3A_35 = arith.constant 0 : index
    %swap3A_36 = arith.constant 0 : index
    %swap3A_37 = vector.load %arg4[%swap3A_34, %swap3A_35, %swap3A_36] : memref<8x1x1024xi32, #tpu.memory_space<vmem>>, vector<1x1x1024xi32>
    %swap3A_38 = vector.shape_cast %swap3A_37 : vector<1x1x1024xi32> to vector<1024xi32>
    %swap3A_39 = vector.shape_cast %add3A_33 : vector<1024xi32> to vector<1x1x1024xi32>
    tpu.vector_store %arg4[%swap3A_34, %swap3A_35, %swap3A_36], %swap3A_39 {strides = array<i32>} : memref<8x1x1024xi32, #tpu.memory_space<vmem>>, vector<1x1x1024xi32>,
    %reduce_sum3A_40 = vector.shape_cast %broadcast_in_dim3A_20 : vector<1x1024xf32> to vector<1x1x1024xf32>
    %reduce_sum3A_41 = arith.constant dense<0.000000e+00> : vector<1xf32>
    %reduce_sum3A_42 = vector.multi_reduction <add>, %reduce_sum3A_40, %reduce_sum3A_41 [1, 2] : vector<1x1x1024xf32> to vector<1xf32>
    %reduce_sum3A_43 = vector.shape_cast %reduce_sum3A_42 : vector<1xf32> to vector<1x1x1xf32>
    %reduce_sum3A_44 = vector.extract %reduce_sum3A_43[0, 0, 0] : f32 from vector<1x1x1xf32>
    %mul3A_45 = arith.mulf %get3A_5, %get3A_5 : vector<1024x32xf32>
    %reduce_sum3A_46 = vector.shape_cast %mul3A_45 : vector<1024x32xf32> to vector<1x1024x32xf32>
    %reduce_sum3A_47 = arith.constant dense<0.000000e+00> : vector<1xf32>
    %reduce_sum3A_48 = vector.multi_reduction <add>, %reduce_sum3A_46, %reduce_sum3A_47 [1, 2] : vector<1x1024x32xf32> to vector<1xf32>
    %reduce_sum3A_49 = vector.shape_cast %reduce_sum3A_48 : vector<1xf32> to vector<1x1x1xf32>
    %reduce_sum3A_50 = vector.extract %reduce_sum3A_49[0, 0, 0] : f32 from vector<1x1x1xf32>
    %add3A_51 = arith.addf %reduce_sum3A_44, %reduce_sum3A_50 : f32
    %add3A_52 = arith.constant 0.000000e+00 : f32
    %add3A_53 = arith.addf %add3A_52, %add3A_51 : f32
    %mul3A_54 = arith.constant 8 : i32
    %mul3A_55 = arith.muli %arg0, %mul3A_54 : i32
    %add3A_56 = arith.constant 1 : i32
    %add3A_57 = arith.addi %mul3A_55, %add3A_56 : i32
    %get3A_58 = arith.constant 1 : index
    %get3A_59 = arith.constant 0 : index
    %get3A_60 = arith.constant 0 : index
    %get3A_61 = vector.load %arg1[%get3A_58, %get3A_59, %get3A_60] : memref<8x1024x32xf32, #tpu.memory_space<vmem>>, vector<1x1024x32xf32>
    %get3A_62 = vector.shape_cast %get3A_61 : vector<1x1024x32xf32> to vector<1024x32xf32>
    %get3A_63 = arith.constant 1 : index
    %get3A_64 = arith.constant 0 : index
    %get3A_65 = arith.constant 0 : index
    %get3A_66 = vector.load %arg2[%get3A_63, %get3A_64, %get3A_65] : memref<8x512x32xf32, #tpu.memory_space<vmem>>, vector<1x512x32xf32>
    %get3A_67 = vector.shape_cast %get3A_66 : vector<1x512x32xf32> to vector<512x32xf32>
    %mul3A_68 = arith.mulf %get3A_67, %get3A_67 : vector<512x32xf32>
    %reduce_sum3A_69 = arith.constant dense<0.000000e+00> : vector<512xf32>
    %reduce_sum3A_70 = vector.multi_reduction <add>, %mul3A_68, %reduce_sum3A_69 [1] : vector<512x32xf32> to vector<512xf32>
    %broadcast_in_dim3A_71 = vector.shape_cast %reduce_sum3A_70 : vector<512xf32> to vector<512x1xf32>
    %mul3A_72 = arith.constant -2.000000e+00 : f32
    %mul3A_73 = vector.broadcast %mul3A_72 : f32 to vector<512x32xf32>
    %mul3A_74 = arith.mulf %get3A_67, %mul3A_73 : vector<512x32xf32>
    %dot_general3A_75 = arith.constant dense<0.000000e+00> : vector<512x1024xf32>
    %dot_general3A_76 = tpu.matmul %mul3A_74, %get3A_62, %dot_general3A_75 {dimension_numbers = #tpu.dot_dimension_numbers<[1], [1], [0], [0], [0, 0, 1, 0], [], []>, precision = #tpu.contract_precision<fp32>, transpose_lhs_hint = false} : vector<512x32xf32>, vector<1024x32xf32>, vector<512x1024xf32> -> vector<512x1024xf32>
    %add3A_77 = vector.broadcast %broadcast_in_dim3A_71 : vector<512x1xf32> to vector<512x1024xf32>
    %add3A_78 = arith.addf %add3A_77, %dot_general3A_76 : vector<512x1024xf32>
    %reduce_min3A_79 = arith.constant dense<0x7F800000> : vector<1024xf32>
    %reduce_min3A_80 = vector.multi_reduction <minimumf>, %add3A_78, %reduce_min3A_79 [0] : vector<512x1024xf32> to vector<1024xf32>
    %broadcast_in_dim3A_81 = vector.shape_cast %reduce_min3A_80 : vector<1024xf32> to vector<1x1024xf32>
    %iota3A_82 = tpu.iota {dimensions = array<i32: 0>} : vector<512x1024xi32>
    %eq3A_83 = vector.broadcast %broadcast_in_dim3A_81 : vector<1x1024xf32> to vector<512x1024xf32>
    %eq3A_84 = arith.cmpf oeq, %add3A_78, %eq3A_83 : vector<512x1024xf32>
    %jit3A_85 = arith.constant 512 : i32
    %broadcast_in_dim3A_86 = vector.broadcast %jit3A_85 : i32 to vector<512x1024xi32>
    %select_n3A_87 = arith.select %eq3A_84, %iota3A_82, %broadcast_in_dim3A_86 : vector<512x1024xi1>, vector<512x1024xi32>
    %reduce_min3A_88 = arith.constant dense<2147483647> : vector<1024xi32>
    %reduce_min3A_89 = vector.multi_reduction <minsi>, %select_n3A_87, %reduce_min3A_88 [0] : vector<512x1024xi32> to vector<1024xi32>
    %swap3A_90 = arith.constant 1 : index
    %swap3A_91 = arith.constant 0 : index
    %swap3A_92 = arith.constant 0 : index
    %swap3A_93 = vector.load %arg3[%swap3A_90, %swap3A_91, %swap3A_92] : memref<8x1x1024xi32, #tpu.memory_space<vmem>>, vector<1x1x1024xi32>
    %swap3A_94 = vector.shape_cast %swap3A_93 : vector<1x1x1024xi32> to vector<1024xi32>
    %swap3A_95 = vector.shape_cast %reduce_min3A_89 : vector<1024xi32> to vector<1x1x1024xi32>
    tpu.vector_store %arg3[%swap3A_90, %swap3A_91, %swap3A_92], %swap3A_95 {strides = array<i32>} : memref<8x1x1024xi32, #tpu.memory_space<vmem>>, vector<1x1x1024xi32>,
    %mul3A_96 = arith.constant 512 : i32
    %mul3A_97 = arith.muli %add3A_57, %mul3A_96 : i32
    %add3A_98 = vector.broadcast %mul3A_97 : i32 to vector<1024xi32>
    %add3A_99 = arith.addi %reduce_min3A_89, %add3A_98 : vector<1024xi32>
    %swap3A_100 = arith.constant 1 : index
    %swap3A_101 = arith.constant 0 : index
    %swap3A_102 = arith.constant 0 : index
    %swap3A_103 = vector.load %arg4[%swap3A_100, %swap3A_101, %swap3A_102] : memref<8x1x1024xi32, #tpu.memory_space<vmem>>, vector<1x1x1024xi32>
    %swap3A_104 = vector.shape_cast %swap3A_103 : vector<1x1x1024xi32> to vector<1024xi32>
    %swap3A_105 = vector.shape_cast %add3A_99 : vector<1024xi32> to vector<1x1x1024xi32>
    tpu.vector_store %arg4[%swap3A_100, %swap3A_101, %swap3A_102], %swap3A_105 {strides = array<i32>} : memref<8x1x1024xi32, #tpu.memory_space<vmem>>, vector<1x1x1024xi32>,
    %reduce_sum3A_106 = vector.shape_cast %broadcast_in_dim3A_81 : vector<1x1024xf32> to vector<1x1x1024xf32>
    %reduce_sum3A_107 = arith.constant dense<0.000000e+00> : vector<1xf32>
    %reduce_sum3A_108 = vector.multi_reduction <add>, %reduce_sum3A_106, %reduce_sum3A_107 [1, 2] : vector<1x1x1024xf32> to vector<1xf32>
    %reduce_sum3A_109 = vector.shape_cast %reduce_sum3A_108 : vector<1xf32> to vector<1x1x1xf32>
    %reduce_sum3A_110 = vector.extract %reduce_sum3A_109[0, 0, 0] : f32 from vector<1x1x1xf32>
    %mul3A_111 = arith.mulf %get3A_62, %get3A_62 : vector<1024x32xf32>
    %reduce_sum3A_112 = vector.shape_cast %mul3A_111 : vector<1024x32xf32> to vector<1x1024x32xf32>
    %reduce_sum3A_113 = arith.constant dense<0.000000e+00> : vector<1xf32>
    %reduce_sum3A_114 = vector.multi_reduction <add>, %reduce_sum3A_112, %reduce_sum3A_113 [1, 2] : vector<1x1024x32xf32> to vector<1xf32>
    %reduce_sum3A_115 = vector.shape_cast %reduce_sum3A_114 : vector<1xf32> to vector<1x1x1xf32>
    %reduce_sum3A_116 = vector.extract %reduce_sum3A_115[0, 0, 0] : f32 from vector<1x1x1xf32>
    %add3A_117 = arith.addf %reduce_sum3A_110, %reduce_sum3A_116 : f32
    %add3A_118 = arith.addf %add3A_53, %add3A_117 : f32
    %mul3A_119 = arith.constant 8 : i32
    %mul3A_120 = arith.muli %arg0, %mul3A_119 : i32
    %add3A_121 = arith.constant 2 : i32
    %add3A_122 = arith.addi %mul3A_120, %add3A_121 : i32
    %get3A_123 = arith.constant 2 : index
    %get3A_124 = arith.constant 0 : index
    %get3A_125 = arith.constant 0 : index
    %get3A_126 = vector.load %arg1[%get3A_123, %get3A_124, %get3A_125] : memref<8x1024x32xf32, #tpu.memory_space<vmem>>, vector<1x1024x32xf32>
    %get3A_127 = vector.shape_cast %get3A_126 : vector<1x1024x32xf32> to vector<1024x32xf32>
    %get3A_128 = arith.constant 2 : index
    %get3A_129 = arith.constant 0 : index
    %get3A_130 = arith.constant 0 : index
    %get3A_131 = vector.load %arg2[%get3A_128, %get3A_129, %get3A_130] : memref<8x512x32xf32, #tpu.memory_space<vmem>>, vector<1x512x32xf32>
    %get3A_132 = vector.shape_cast %get3A_131 : vector<1x512x32xf32> to vector<512x32xf32>
    %mul3A_133 = arith.mulf %get3A_132, %get3A_132 : vector<512x32xf32>
    %reduce_sum3A_134 = arith.constant dense<0.000000e+00> : vector<512xf32>
    %reduce_sum3A_135 = vector.multi_reduction <add>, %mul3A_133, %reduce_sum3A_134 [1] : vector<512x32xf32> to vector<512xf32>
    %broadcast_in_dim3A_136 = vector.shape_cast %reduce_sum3A_135 : vector<512xf32> to vector<512x1xf32>
    %mul3A_137 = arith.constant -2.000000e+00 : f32
    %mul3A_138 = vector.broadcast %mul3A_137 : f32 to vector<512x32xf32>
    %mul3A_139 = arith.mulf %get3A_132, %mul3A_138 : vector<512x32xf32>
    %dot_general3A_140 = arith.constant dense<0.000000e+00> : vector<512x1024xf32>
    %dot_general3A_141 = tpu.matmul %mul3A_139, %get3A_127, %dot_general3A_140 {dimension_numbers = #tpu.dot_dimension_numbers<[1], [1], [0], [0], [0, 0, 1, 0], [], []>, precision = #tpu.contract_precision<fp32>, transpose_lhs_hint = false} : vector<512x32xf32>, vector<1024x32xf32>, vector<512x1024xf32> -> vector<512x1024xf32>
    %add3A_142 = vector.broadcast %broadcast_in_dim3A_136 : vector<512x1xf32> to vector<512x1024xf32>
    %add3A_143 = arith.addf %add3A_142, %dot_general3A_141 : vector<512x1024xf32>
    %reduce_min3A_144 = arith.constant dense<0x7F800000> : vector<1024xf32>
    %reduce_min3A_145 = vector.multi_reduction <minimumf>, %add3A_143, %reduce_min3A_144 [0] : vector<512x1024xf32> to vector<1024xf32>
    %broadcast_in_dim3A_146 = vector.shape_cast %reduce_min3A_145 : vector<1024xf32> to vector<1x1024xf32>
    %iota3A_147 = tpu.iota {dimensions = array<i32: 0>} : vector<512x1024xi32>
    %eq3A_148 = vector.broadcast %broadcast_in_dim3A_146 : vector<1x1024xf32> to vector<512x1024xf32>
    %eq3A_149 = arith.cmpf oeq, %add3A_143, %eq3A_148 : vector<512x1024xf32>
    %jit3A_150 = arith.constant 512 : i32
    %broadcast_in_dim3A_151 = vector.broadcast %jit3A_150 : i32 to vector<512x1024xi32>
    %select_n3A_152 = arith.select %eq3A_149, %iota3A_147, %broadcast_in_dim3A_151 : vector<512x1024xi1>, vector<512x1024xi32>
    %reduce_min3A_153 = arith.constant dense<2147483647> : vector<1024xi32>
    %reduce_min3A_154 = vector.multi_reduction <minsi>, %select_n3A_152, %reduce_min3A_153 [0] : vector<512x1024xi32> to vector<1024xi32>
    %swap3A_155 = arith.constant 2 : index
    %swap3A_156 = arith.constant 0 : index
    %swap3A_157 = arith.constant 0 : index
    %swap3A_158 = vector.load %arg3[%swap3A_155, %swap3A_156, %swap3A_157] : memref<8x1x1024xi32, #tpu.memory_space<vmem>>, vector<1x1x1024xi32>
    %swap3A_159 = vector.shape_cast %swap3A_158 : vector<1x1x1024xi32> to vector<1024xi32>
    %swap3A_160 = vector.shape_cast %reduce_min3A_154 : vector<1024xi32> to vector<1x1x1024xi32>
    tpu.vector_store %arg3[%swap3A_155, %swap3A_156, %swap3A_157], %swap3A_160 {strides = array<i32>} : memref<8x1x1024xi32, #tpu.memory_space<vmem>>, vector<1x1x1024xi32>,
    %mul3A_161 = arith.constant 512 : i32
    %mul3A_162 = arith.muli %add3A_122, %mul3A_161 : i32
    %add3A_163 = vector.broadcast %mul3A_162 : i32 to vector<1024xi32>
    %add3A_164 = arith.addi %reduce_min3A_154, %add3A_163 : vector<1024xi32>
    %swap3A_165 = arith.constant 2 : index
    %swap3A_166 = arith.constant 0 : index
    %swap3A_167 = arith.constant 0 : index
    %swap3A_168 = vector.load %arg4[%swap3A_165, %swap3A_166, %swap3A_167] : memref<8x1x1024xi32, #tpu.memory_space<vmem>>, vector<1x1x1024xi32>
    %swap3A_169 = vector.shape_cast %swap3A_168 : vector<1x1x1024xi32> to vector<1024xi32>
    %swap3A_170 = vector.shape_cast %add3A_164 : vector<1024xi32> to vector<1x1x1024xi32>
    tpu.vector_store %arg4[%swap3A_165, %swap3A_166, %swap3A_167], %swap3A_170 {strides = array<i32>} : memref<8x1x1024xi32, #tpu.memory_space<vmem>>, vector<1x1x1024xi32>,
    %reduce_sum3A_171 = vector.shape_cast %broadcast_in_dim3A_146 : vector<1x1024xf32> to vector<1x1x1024xf32>
    %reduce_sum3A_172 = arith.constant dense<0.000000e+00> : vector<1xf32>
    %reduce_sum3A_173 = vector.multi_reduction <add>, %reduce_sum3A_171, %reduce_sum3A_172 [1, 2] : vector<1x1x1024xf32> to vector<1xf32>
    %reduce_sum3A_174 = vector.shape_cast %reduce_sum3A_173 : vector<1xf32> to vector<1x1x1xf32>
    %reduce_sum3A_175 = vector.extract %reduce_sum3A_174[0, 0, 0] : f32 from vector<1x1x1xf32>
    %mul3A_176 = arith.mulf %get3A_127, %get3A_127 : vector<1024x32xf32>
    %reduce_sum3A_177 = vector.shape_cast %mul3A_176 : vector<1024x32xf32> to vector<1x1024x32xf32>
    %reduce_sum3A_178 = arith.constant dense<0.000000e+00> : vector<1xf32>
    %reduce_sum3A_179 = vector.multi_reduction <add>, %reduce_sum3A_177, %reduce_sum3A_178 [1, 2] : vector<1x1024x32xf32> to vector<1xf32>
    %reduce_sum3A_180 = vector.shape_cast %reduce_sum3A_179 : vector<1xf32> to vector<1x1x1xf32>
    %reduce_sum3A_181 = vector.extract %reduce_sum3A_180[0, 0, 0] : f32 from vector<1x1x1xf32>
    %add3A_182 = arith.addf %reduce_sum3A_175, %reduce_sum3A_181 : f32
    %add3A_183 = arith.addf %add3A_118, %add3A_182 : f32
    %mul3A_184 = arith.constant 8 : i32
    %mul3A_185 = arith.muli %arg0, %mul3A_184 : i32
    %add3A_186 = arith.constant 3 : i32
    %add3A_187 = arith.addi %mul3A_185, %add3A_186 : i32
    %get3A_188 = arith.constant 3 : index
    %get3A_189 = arith.constant 0 : index
    %get3A_190 = arith.constant 0 : index
    %get3A_191 = vector.load %arg1[%get3A_188, %get3A_189, %get3A_190] : memref<8x1024x32xf32, #tpu.memory_space<vmem>>, vector<1x1024x32xf32>
    %get3A_192 = vector.shape_cast %get3A_191 : vector<1x1024x32xf32> to vector<1024x32xf32>
    %get3A_193 = arith.constant 3 : index
    %get3A_194 = arith.constant 0 : index
    %get3A_195 = arith.constant 0 : index
    %get3A_196 = vector.load %arg2[%get3A_193, %get3A_194, %get3A_195] : memref<8x512x32xf32, #tpu.memory_space<vmem>>, vector<1x512x32xf32>
    %get3A_197 = vector.shape_cast %get3A_196 : vector<1x512x32xf32> to vector<512x32xf32>
    %mul3A_198 = arith.mulf %get3A_197, %get3A_197 : vector<512x32xf32>
    %reduce_sum3A_199 = arith.constant dense<0.000000e+00> : vector<512xf32>
    %reduce_sum3A_200 = vector.multi_reduction <add>, %mul3A_198, %reduce_sum3A_199 [1] : vector<512x32xf32> to vector<512xf32>
    %broadcast_in_dim3A_201 = vector.shape_cast %reduce_sum3A_200 : vector<512xf32> to vector<512x1xf32>
    %mul3A_202 = arith.constant -2.000000e+00 : f32
    %mul3A_203 = vector.broadcast %mul3A_202 : f32 to vector<512x32xf32>
    %mul3A_204 = arith.mulf %get3A_197, %mul3A_203 : vector<512x32xf32>
    %dot_general3A_205 = arith.constant dense<0.000000e+00> : vector<512x1024xf32>
    %dot_general3A_206 = tpu.matmul %mul3A_204, %get3A_192, %dot_general3A_205 {dimension_numbers = #tpu.dot_dimension_numbers<[1], [1], [0], [0], [0, 0, 1, 0], [], []>, precision = #tpu.contract_precision<fp32>, transpose_lhs_hint = false} : vector<512x32xf32>, vector<1024x32xf32>, vector<512x1024xf32> -> vector<512x1024xf32>
    %add3A_207 = vector.broadcast %broadcast_in_dim3A_201 : vector<512x1xf32> to vector<512x1024xf32>
    %add3A_208 = arith.addf %add3A_207, %dot_general3A_206 : vector<512x1024xf32>
    %reduce_min3A_209 = arith.constant dense<0x7F800000> : vector<1024xf32>
    %reduce_min3A_210 = vector.multi_reduction <minimumf>, %add3A_208, %reduce_min3A_209 [0] : vector<512x1024xf32> to vector<1024xf32>
    %broadcast_in_dim3A_211 = vector.shape_cast %reduce_min3A_210 : vector<1024xf32> to vector<1x1024xf32>
    %iota3A_212 = tpu.iota {dimensions = array<i32: 0>} : vector<512x1024xi32>
    %eq3A_213 = vector.broadcast %broadcast_in_dim3A_211 : vector<1x1024xf32> to vector<512x1024xf32>
    %eq3A_214 = arith.cmpf oeq, %add3A_208, %eq3A_213 : vector<512x1024xf32>
    %jit3A_215 = arith.constant 512 : i32
    %broadcast_in_dim3A_216 = vector.broadcast %jit3A_215 : i32 to vector<512x1024xi32>
    %select_n3A_217 = arith.select %eq3A_214, %iota3A_212, %broadcast_in_dim3A_216 : vector<512x1024xi1>, vector<512x1024xi32>
    %reduce_min3A_218 = arith.constant dense<2147483647> : vector<1024xi32>
    %reduce_min3A_219 = vector.multi_reduction <minsi>, %select_n3A_217, %reduce_min3A_218 [0] : vector<512x1024xi32> to vector<1024xi32>
    %swap3A_220 = arith.constant 3 : index
    %swap3A_221 = arith.constant 0 : index
    %swap3A_222 = arith.constant 0 : index
    %swap3A_223 = vector.load %arg3[%swap3A_220, %swap3A_221, %swap3A_222] : memref<8x1x1024xi32, #tpu.memory_space<vmem>>, vector<1x1x1024xi32>
    %swap3A_224 = vector.shape_cast %swap3A_223 : vector<1x1x1024xi32> to vector<1024xi32>
    %swap3A_225 = vector.shape_cast %reduce_min3A_219 : vector<1024xi32> to vector<1x1x1024xi32>
    tpu.vector_store %arg3[%swap3A_220, %swap3A_221, %swap3A_222], %swap3A_225 {strides = array<i32>} : memref<8x1x1024xi32, #tpu.memory_space<vmem>>, vector<1x1x1024xi32>,
    %mul3A_226 = arith.constant 512 : i32
    %mul3A_227 = arith.muli %add3A_187, %mul3A_226 : i32
    %add3A_228 = vector.broadcast %mul3A_227 : i32 to vector<1024xi32>
    %add3A_229 = arith.addi %reduce_min3A_219, %add3A_228 : vector<1024xi32>
    %swap3A_230 = arith.constant 3 : index
    %swap3A_231 = arith.constant 0 : index
    %swap3A_232 = arith.constant 0 : index
    %swap3A_233 = vector.load %arg4[%swap3A_230, %swap3A_231, %swap3A_232] : memref<8x1x1024xi32, #tpu.memory_space<vmem>>, vector<1x1x1024xi32>
    %swap3A_234 = vector.shape_cast %swap3A_233 : vector<1x1x1024xi32> to vector<1024xi32>
    %swap3A_235 = vector.shape_cast %add3A_229 : vector<1024xi32> to vector<1x1x1024xi32>
    tpu.vector_store %arg4[%swap3A_230, %swap3A_231, %swap3A_232], %swap3A_235 {strides = array<i32>} : memref<8x1x1024xi32, #tpu.memory_space<vmem>>, vector<1x1x1024xi32>,
    %reduce_sum3A_236 = vector.shape_cast %broadcast_in_dim3A_211 : vector<1x1024xf32> to vector<1x1x1024xf32>
    %reduce_sum3A_237 = arith.constant dense<0.000000e+00> : vector<1xf32>
    %reduce_sum3A_238 = vector.multi_reduction <add>, %reduce_sum3A_236, %reduce_sum3A_237 [1, 2] : vector<1x1x1024xf32> to vector<1xf32>
    %reduce_sum3A_239 = vector.shape_cast %reduce_sum3A_238 : vector<1xf32> to vector<1x1x1xf32>
    %reduce_sum3A_240 = vector.extract %reduce_sum3A_239[0, 0, 0] : f32 from vector<1x1x1xf32>
    %mul3A_241 = arith.mulf %get3A_192, %get3A_192 : vector<1024x32xf32>
    %reduce_sum3A_242 = vector.shape_cast %mul3A_241 : vector<1024x32xf32> to vector<1x1024x32xf32>
    %reduce_sum3A_243 = arith.constant dense<0.000000e+00> : vector<1xf32>
    %reduce_sum3A_244 = vector.multi_reduction <add>, %reduce_sum3A_242, %reduce_sum3A_243 [1, 2] : vector<1x1024x32xf32> to vector<1xf32>
    %reduce_sum3A_245 = vector.shape_cast %reduce_sum3A_244 : vector<1xf32> to vector<1x1x1xf32>
    %reduce_sum3A_246 = vector.extract %reduce_sum3A_245[0, 0, 0] : f32 from vector<1x1x1xf32>
    %add3A_247 = arith.addf %reduce_sum3A_240, %reduce_sum3A_246 : f32
    %add3A_248 = arith.addf %add3A_183, %add3A_247 : f32
    %mul3A_249 = arith.constant 8 : i32
    %mul3A_250 = arith.muli %arg0, %mul3A_249 : i32
    %add3A_251 = arith.constant 4 : i32
    %add3A_252 = arith.addi %mul3A_250, %add3A_251 : i32
    %get3A_253 = arith.constant 4 : index
    %get3A_254 = arith.constant 0 : index
    %get3A_255 = arith.constant 0 : index
    %get3A_256 = vector.load %arg1[%get3A_253, %get3A_254, %get3A_255] : memref<8x1024x32xf32, #tpu.memory_space<vmem>>, vector<1x1024x32xf32>
    %get3A_257 = vector.shape_cast %get3A_256 : vector<1x1024x32xf32> to vector<1024x32xf32>
    %get3A_258 = arith.constant 4 : index
    %get3A_259 = arith.constant 0 : index
    %get3A_260 = arith.constant 0 : index
    %get3A_261 = vector.load %arg2[%get3A_258, %get3A_259, %get3A_260] : memref<8x512x32xf32, #tpu.memory_space<vmem>>, vector<1x512x32xf32>
    %get3A_262 = vector.shape_cast %get3A_261 : vector<1x512x32xf32> to vector<512x32xf32>
    %mul3A_263 = arith.mulf %get3A_262, %get3A_262 : vector<512x32xf32>
    %reduce_sum3A_264 = arith.constant dense<0.000000e+00> : vector<512xf32>
    %reduce_sum3A_265 = vector.multi_reduction <add>, %mul3A_263, %reduce_sum3A_264 [1] : vector<512x32xf32> to vector<512xf32>
    %broadcast_in_dim3A_266 = vector.shape_cast %reduce_sum3A_265 : vector<512xf32> to vector<512x1xf32>
    %mul3A_267 = arith.constant -2.000000e+00 : f32
    %mul3A_268 = vector.broadcast %mul3A_267 : f32 to vector<512x32xf32>
    %mul3A_269 = arith.mulf %get3A_262, %mul3A_268 : vector<512x32xf32>
    %dot_general3A_270 = arith.constant dense<0.000000e+00> : vector<512x1024xf32>
    %dot_general3A_271 = tpu.matmul %mul3A_269, %get3A_257, %dot_general3A_270 {dimension_numbers = #tpu.dot_dimension_numbers<[1], [1], [0], [0], [0, 0, 1, 0], [], []>, precision = #tpu.contract_precision<fp32>, transpose_lhs_hint = false} : vector<512x32xf32>, vector<1024x32xf32>, vector<512x1024xf32> -> vector<512x1024xf32>
    %add3A_272 = vector.broadcast %broadcast_in_dim3A_266 : vector<512x1xf32> to vector<512x1024xf32>
    %add3A_273 = arith.addf %add3A_272, %dot_general3A_271 : vector<512x1024xf32>
    %reduce_min3A_274 = arith.constant dense<0x7F800000> : vector<1024xf32>
    %reduce_min3A_275 = vector.multi_reduction <minimumf>, %add3A_273, %reduce_min3A_274 [0] : vector<512x1024xf32> to vector<1024xf32>
    %broadcast_in_dim3A_276 = vector.shape_cast %reduce_min3A_275 : vector<1024xf32> to vector<1x1024xf32>
    %iota3A_277 = tpu.iota {dimensions = array<i32: 0>} : vector<512x1024xi32>
    %eq3A_278 = vector.broadcast %broadcast_in_dim3A_276 : vector<1x1024xf32> to vector<512x1024xf32>
    %eq3A_279 = arith.cmpf oeq, %add3A_273, %eq3A_278 : vector<512x1024xf32>
    %jit3A_280 = arith.constant 512 : i32
    %broadcast_in_dim3A_281 = vector.broadcast %jit3A_280 : i32 to vector<512x1024xi32>
    %select_n3A_282 = arith.select %eq3A_279, %iota3A_277, %broadcast_in_dim3A_281 : vector<512x1024xi1>, vector<512x1024xi32>
    %reduce_min3A_283 = arith.constant dense<2147483647> : vector<1024xi32>
    %reduce_min3A_284 = vector.multi_reduction <minsi>, %select_n3A_282, %reduce_min3A_283 [0] : vector<512x1024xi32> to vector<1024xi32>
    %swap3A_285 = arith.constant 4 : index
    %swap3A_286 = arith.constant 0 : index
    %swap3A_287 = arith.constant 0 : index
    %swap3A_288 = vector.load %arg3[%swap3A_285, %swap3A_286, %swap3A_287] : memref<8x1x1024xi32, #tpu.memory_space<vmem>>, vector<1x1x1024xi32>
    %swap3A_289 = vector.shape_cast %swap3A_288 : vector<1x1x1024xi32> to vector<1024xi32>
    %swap3A_290 = vector.shape_cast %reduce_min3A_284 : vector<1024xi32> to vector<1x1x1024xi32>
    tpu.vector_store %arg3[%swap3A_285, %swap3A_286, %swap3A_287], %swap3A_290 {strides = array<i32>} : memref<8x1x1024xi32, #tpu.memory_space<vmem>>, vector<1x1x1024xi32>,
    %mul3A_291 = arith.constant 512 : i32
    %mul3A_292 = arith.muli %add3A_252, %mul3A_291 : i32
    %add3A_293 = vector.broadcast %mul3A_292 : i32 to vector<1024xi32>
    %add3A_294 = arith.addi %reduce_min3A_284, %add3A_293 : vector<1024xi32>
    %swap3A_295 = arith.constant 4 : index
    %swap3A_296 = arith.constant 0 : index
    %swap3A_297 = arith.constant 0 : index
    %swap3A_298 = vector.load %arg4[%swap3A_295, %swap3A_296, %swap3A_297] : memref<8x1x1024xi32, #tpu.memory_space<vmem>>, vector<1x1x1024xi32>
    %swap3A_299 = vector.shape_cast %swap3A_298 : vector<1x1x1024xi32> to vector<1024xi32>
    %swap3A_300 = vector.shape_cast %add3A_294 : vector<1024xi32> to vector<1x1x1024xi32>
    tpu.vector_store %arg4[%swap3A_295, %swap3A_296, %swap3A_297], %swap3A_300 {strides = array<i32>} : memref<8x1x1024xi32, #tpu.memory_space<vmem>>, vector<1x1x1024xi32>,
    %reduce_sum3A_301 = vector.shape_cast %broadcast_in_dim3A_276 : vector<1x1024xf32> to vector<1x1x1024xf32>
    %reduce_sum3A_302 = arith.constant dense<0.000000e+00> : vector<1xf32>
    %reduce_sum3A_303 = vector.multi_reduction <add>, %reduce_sum3A_301, %reduce_sum3A_302 [1, 2] : vector<1x1x1024xf32> to vector<1xf32>
    %reduce_sum3A_304 = vector.shape_cast %reduce_sum3A_303 : vector<1xf32> to vector<1x1x1xf32>
    %reduce_sum3A_305 = vector.extract %reduce_sum3A_304[0, 0, 0] : f32 from vector<1x1x1xf32>
    %mul3A_306 = arith.mulf %get3A_257, %get3A_257 : vector<1024x32xf32>
    %reduce_sum3A_307 = vector.shape_cast %mul3A_306 : vector<1024x32xf32> to vector<1x1024x32xf32>
    %reduce_sum3A_308 = arith.constant dense<0.000000e+00> : vector<1xf32>
    %reduce_sum3A_309 = vector.multi_reduction <add>, %reduce_sum3A_307, %reduce_sum3A_308 [1, 2] : vector<1x1024x32xf32> to vector<1xf32>
    %reduce_sum3A_310 = vector.shape_cast %reduce_sum3A_309 : vector<1xf32> to vector<1x1x1xf32>
    %reduce_sum3A_311 = vector.extract %reduce_sum3A_310[0, 0, 0] : f32 from vector<1x1x1xf32>
    %add3A_312 = arith.addf %reduce_sum3A_305, %reduce_sum3A_311 : f32
    %add3A_313 = arith.addf %add3A_248, %add3A_312 : f32
    %mul3A_314 = arith.constant 8 : i32
    %mul3A_315 = arith.muli %arg0, %mul3A_314 : i32
    %add3A_316 = arith.constant 5 : i32
    %add3A_317 = arith.addi %mul3A_315, %add3A_316 : i32
    %get3A_318 = arith.constant 5 : index
    %get3A_319 = arith.constant 0 : index
    %get3A_320 = arith.constant 0 : index
    %get3A_321 = vector.load %arg1[%get3A_318, %get3A_319, %get3A_320] : memref<8x1024x32xf32, #tpu.memory_space<vmem>>, vector<1x1024x32xf32>
    %get3A_322 = vector.shape_cast %get3A_321 : vector<1x1024x32xf32> to vector<1024x32xf32>
    %get3A_323 = arith.constant 5 : index
    %get3A_324 = arith.constant 0 : index
    %get3A_325 = arith.constant 0 : index
    %get3A_326 = vector.load %arg2[%get3A_323, %get3A_324, %get3A_325] : memref<8x512x32xf32, #tpu.memory_space<vmem>>, vector<1x512x32xf32>
    %get3A_327 = vector.shape_cast %get3A_326 : vector<1x512x32xf32> to vector<512x32xf32>
    %mul3A_328 = arith.mulf %get3A_327, %get3A_327 : vector<512x32xf32>
    %reduce_sum3A_329 = arith.constant dense<0.000000e+00> : vector<512xf32>
    %reduce_sum3A_330 = vector.multi_reduction <add>, %mul3A_328, %reduce_sum3A_329 [1] : vector<512x32xf32> to vector<512xf32>
    %broadcast_in_dim3A_331 = vector.shape_cast %reduce_sum3A_330 : vector<512xf32> to vector<512x1xf32>
    %mul3A_332 = arith.constant -2.000000e+00 : f32
    %mul3A_333 = vector.broadcast %mul3A_332 : f32 to vector<512x32xf32>
    %mul3A_334 = arith.mulf %get3A_327, %mul3A_333 : vector<512x32xf32>
    %dot_general3A_335 = arith.constant dense<0.000000e+00> : vector<512x1024xf32>
    %dot_general3A_336 = tpu.matmul %mul3A_334, %get3A_322, %dot_general3A_335 {dimension_numbers = #tpu.dot_dimension_numbers<[1], [1], [0], [0], [0, 0, 1, 0], [], []>, precision = #tpu.contract_precision<fp32>, transpose_lhs_hint = false} : vector<512x32xf32>, vector<1024x32xf32>, vector<512x1024xf32> -> vector<512x1024xf32>
    %add3A_337 = vector.broadcast %broadcast_in_dim3A_331 : vector<512x1xf32> to vector<512x1024xf32>
    %add3A_338 = arith.addf %add3A_337, %dot_general3A_336 : vector<512x1024xf32>
    %reduce_min3A_339 = arith.constant dense<0x7F800000> : vector<1024xf32>
    %reduce_min3A_340 = vector.multi_reduction <minimumf>, %add3A_338, %reduce_min3A_339 [0] : vector<512x1024xf32> to vector<1024xf32>
    %broadcast_in_dim3A_341 = vector.shape_cast %reduce_min3A_340 : vector<1024xf32> to vector<1x1024xf32>
    %iota3A_342 = tpu.iota {dimensions = array<i32: 0>} : vector<512x1024xi32>
    %eq3A_343 = vector.broadcast %broadcast_in_dim3A_341 : vector<1x1024xf32> to vector<512x1024xf32>
    %eq3A_344 = arith.cmpf oeq, %add3A_338, %eq3A_343 : vector<512x1024xf32>
    %jit3A_345 = arith.constant 512 : i32
    %broadcast_in_dim3A_346 = vector.broadcast %jit3A_345 : i32 to vector<512x1024xi32>
    %select_n3A_347 = arith.select %eq3A_344, %iota3A_342, %broadcast_in_dim3A_346 : vector<512x1024xi1>, vector<512x1024xi32>
    %reduce_min3A_348 = arith.constant dense<2147483647> : vector<1024xi32>
    %reduce_min3A_349 = vector.multi_reduction <minsi>, %select_n3A_347, %reduce_min3A_348 [0] : vector<512x1024xi32> to vector<1024xi32>
    %swap3A_350 = arith.constant 5 : index
    %swap3A_351 = arith.constant 0 : index
    %swap3A_352 = arith.constant 0 : index
    %swap3A_353 = vector.load %arg3[%swap3A_350, %swap3A_351, %swap3A_352] : memref<8x1x1024xi32, #tpu.memory_space<vmem>>, vector<1x1x1024xi32>
    %swap3A_354 = vector.shape_cast %swap3A_353 : vector<1x1x1024xi32> to vector<1024xi32>
    %swap3A_355 = vector.shape_cast %reduce_min3A_349 : vector<1024xi32> to vector<1x1x1024xi32>
    tpu.vector_store %arg3[%swap3A_350, %swap3A_351, %swap3A_352], %swap3A_355 {strides = array<i32>} : memref<8x1x1024xi32, #tpu.memory_space<vmem>>, vector<1x1x1024xi32>,
    %mul3A_356 = arith.constant 512 : i32
    %mul3A_357 = arith.muli %add3A_317, %mul3A_356 : i32
    %add3A_358 = vector.broadcast %mul3A_357 : i32 to vector<1024xi32>
    %add3A_359 = arith.addi %reduce_min3A_349, %add3A_358 : vector<1024xi32>
    %swap3A_360 = arith.constant 5 : index
    %swap3A_361 = arith.constant 0 : index
    %swap3A_362 = arith.constant 0 : index
    %swap3A_363 = vector.load %arg4[%swap3A_360, %swap3A_361, %swap3A_362] : memref<8x1x1024xi32, #tpu.memory_space<vmem>>, vector<1x1x1024xi32>
    %swap3A_364 = vector.shape_cast %swap3A_363 : vector<1x1x1024xi32> to vector<1024xi32>
    %swap3A_365 = vector.shape_cast %add3A_359 : vector<1024xi32> to vector<1x1x1024xi32>
    tpu.vector_store %arg4[%swap3A_360, %swap3A_361, %swap3A_362], %swap3A_365 {strides = array<i32>} : memref<8x1x1024xi32, #tpu.memory_space<vmem>>, vector<1x1x1024xi32>,
    %reduce_sum3A_366 = vector.shape_cast %broadcast_in_dim3A_341 : vector<1x1024xf32> to vector<1x1x1024xf32>
    %reduce_sum3A_367 = arith.constant dense<0.000000e+00> : vector<1xf32>
    %reduce_sum3A_368 = vector.multi_reduction <add>, %reduce_sum3A_366, %reduce_sum3A_367 [1, 2] : vector<1x1x1024xf32> to vector<1xf32>
    %reduce_sum3A_369 = vector.shape_cast %reduce_sum3A_368 : vector<1xf32> to vector<1x1x1xf32>
    %reduce_sum3A_370 = vector.extract %reduce_sum3A_369[0, 0, 0] : f32 from vector<1x1x1xf32>
    %mul3A_371 = arith.mulf %get3A_322, %get3A_322 : vector<1024x32xf32>
    %reduce_sum3A_372 = vector.shape_cast %mul3A_371 : vector<1024x32xf32> to vector<1x1024x32xf32>
    %reduce_sum3A_373 = arith.constant dense<0.000000e+00> : vector<1xf32>
    %reduce_sum3A_374 = vector.multi_reduction <add>, %reduce_sum3A_372, %reduce_sum3A_373 [1, 2] : vector<1x1024x32xf32> to vector<1xf32>
    %reduce_sum3A_375 = vector.shape_cast %reduce_sum3A_374 : vector<1xf32> to vector<1x1x1xf32>
    %reduce_sum3A_376 = vector.extract %reduce_sum3A_375[0, 0, 0] : f32 from vector<1x1x1xf32>
    %add3A_377 = arith.addf %reduce_sum3A_370, %reduce_sum3A_376 : f32
    %add3A_378 = arith.addf %add3A_313, %add3A_377 : f32
    %mul3A_379 = arith.constant 8 : i32
    %mul3A_380 = arith.muli %arg0, %mul3A_379 : i32
    %add3A_381 = arith.constant 6 : i32
    %add3A_382 = arith.addi %mul3A_380, %add3A_381 : i32
    %get3A_383 = arith.constant 6 : index
    %get3A_384 = arith.constant 0 : index
    %get3A_385 = arith.constant 0 : index
    %get3A_386 = vector.load %arg1[%get3A_383, %get3A_384, %get3A_385] : memref<8x1024x32xf32, #tpu.memory_space<vmem>>, vector<1x1024x32xf32>
    %get3A_387 = vector.shape_cast %get3A_386 : vector<1x1024x32xf32> to vector<1024x32xf32>
    %get3A_388 = arith.constant 6 : index
    %get3A_389 = arith.constant 0 : index
    %get3A_390 = arith.constant 0 : index
    %get3A_391 = vector.load %arg2[%get3A_388, %get3A_389, %get3A_390] : memref<8x512x32xf32, #tpu.memory_space<vmem>>, vector<1x512x32xf32>
    %get3A_392 = vector.shape_cast %get3A_391 : vector<1x512x32xf32> to vector<512x32xf32>
    %mul3A_393 = arith.mulf %get3A_392, %get3A_392 : vector<512x32xf32>
    %reduce_sum3A_394 = arith.constant dense<0.000000e+00> : vector<512xf32>
    %reduce_sum3A_395 = vector.multi_reduction <add>, %mul3A_393, %reduce_sum3A_394 [1] : vector<512x32xf32> to vector<512xf32>
    %broadcast_in_dim3A_396 = vector.shape_cast %reduce_sum3A_395 : vector<512xf32> to vector<512x1xf32>
    %mul3A_397 = arith.constant -2.000000e+00 : f32
    %mul3A_398 = vector.broadcast %mul3A_397 : f32 to vector<512x32xf32>
    %mul3A_399 = arith.mulf %get3A_392, %mul3A_398 : vector<512x32xf32>
    %dot_general3A_400 = arith.constant dense<0.000000e+00> : vector<512x1024xf32>
    %dot_general3A_401 = tpu.matmul %mul3A_399, %get3A_387, %dot_general3A_400 {dimension_numbers = #tpu.dot_dimension_numbers<[1], [1], [0], [0], [0, 0, 1, 0], [], []>, precision = #tpu.contract_precision<fp32>, transpose_lhs_hint = false} : vector<512x32xf32>, vector<1024x32xf32>, vector<512x1024xf32> -> vector<512x1024xf32>
    %add3A_402 = vector.broadcast %broadcast_in_dim3A_396 : vector<512x1xf32> to vector<512x1024xf32>
    %add3A_403 = arith.addf %add3A_402, %dot_general3A_401 : vector<512x1024xf32>
    %reduce_min3A_404 = arith.constant dense<0x7F800000> : vector<1024xf32>
    %reduce_min3A_405 = vector.multi_reduction <minimumf>, %add3A_403, %reduce_min3A_404 [0] : vector<512x1024xf32> to vector<1024xf32>
    %broadcast_in_dim3A_406 = vector.shape_cast %reduce_min3A_405 : vector<1024xf32> to vector<1x1024xf32>
    %iota3A_407 = tpu.iota {dimensions = array<i32: 0>} : vector<512x1024xi32>
    %eq3A_408 = vector.broadcast %broadcast_in_dim3A_406 : vector<1x1024xf32> to vector<512x1024xf32>
    %eq3A_409 = arith.cmpf oeq, %add3A_403, %eq3A_408 : vector<512x1024xf32>
    %jit3A_410 = arith.constant 512 : i32
    %broadcast_in_dim3A_411 = vector.broadcast %jit3A_410 : i32 to vector<512x1024xi32>
    %select_n3A_412 = arith.select %eq3A_409, %iota3A_407, %broadcast_in_dim3A_411 : vector<512x1024xi1>, vector<512x1024xi32>
    %reduce_min3A_413 = arith.constant dense<2147483647> : vector<1024xi32>
    %reduce_min3A_414 = vector.multi_reduction <minsi>, %select_n3A_412, %reduce_min3A_413 [0] : vector<512x1024xi32> to vector<1024xi32>
    %swap3A_415 = arith.constant 6 : index
    %swap3A_416 = arith.constant 0 : index
    %swap3A_417 = arith.constant 0 : index
    %swap3A_418 = vector.load %arg3[%swap3A_415, %swap3A_416, %swap3A_417] : memref<8x1x1024xi32, #tpu.memory_space<vmem>>, vector<1x1x1024xi32>
    %swap3A_419 = vector.shape_cast %swap3A_418 : vector<1x1x1024xi32> to vector<1024xi32>
    %swap3A_420 = vector.shape_cast %reduce_min3A_414 : vector<1024xi32> to vector<1x1x1024xi32>
    tpu.vector_store %arg3[%swap3A_415, %swap3A_416, %swap3A_417], %swap3A_420 {strides = array<i32>} : memref<8x1x1024xi32, #tpu.memory_space<vmem>>, vector<1x1x1024xi32>,
    %mul3A_421 = arith.constant 512 : i32
    %mul3A_422 = arith.muli %add3A_382, %mul3A_421 : i32
    %add3A_423 = vector.broadcast %mul3A_422 : i32 to vector<1024xi32>
    %add3A_424 = arith.addi %reduce_min3A_414, %add3A_423 : vector<1024xi32>
    %swap3A_425 = arith.constant 6 : index
    %swap3A_426 = arith.constant 0 : index
    %swap3A_427 = arith.constant 0 : index
    %swap3A_428 = vector.load %arg4[%swap3A_425, %swap3A_426, %swap3A_427] : memref<8x1x1024xi32, #tpu.memory_space<vmem>>, vector<1x1x1024xi32>
    %swap3A_429 = vector.shape_cast %swap3A_428 : vector<1x1x1024xi32> to vector<1024xi32>
    %swap3A_430 = vector.shape_cast %add3A_424 : vector<1024xi32> to vector<1x1x1024xi32>
    tpu.vector_store %arg4[%swap3A_425, %swap3A_426, %swap3A_427], %swap3A_430 {strides = array<i32>} : memref<8x1x1024xi32, #tpu.memory_space<vmem>>, vector<1x1x1024xi32>,
    %reduce_sum3A_431 = vector.shape_cast %broadcast_in_dim3A_406 : vector<1x1024xf32> to vector<1x1x1024xf32>
    %reduce_sum3A_432 = arith.constant dense<0.000000e+00> : vector<1xf32>
    %reduce_sum3A_433 = vector.multi_reduction <add>, %reduce_sum3A_431, %reduce_sum3A_432 [1, 2] : vector<1x1x1024xf32> to vector<1xf32>
    %reduce_sum3A_434 = vector.shape_cast %reduce_sum3A_433 : vector<1xf32> to vector<1x1x1xf32>
    %reduce_sum3A_435 = vector.extract %reduce_sum3A_434[0, 0, 0] : f32 from vector<1x1x1xf32>
    %mul3A_436 = arith.mulf %get3A_387, %get3A_387 : vector<1024x32xf32>
    %reduce_sum3A_437 = vector.shape_cast %mul3A_436 : vector<1024x32xf32> to vector<1x1024x32xf32>
    %reduce_sum3A_438 = arith.constant dense<0.000000e+00> : vector<1xf32>
    %reduce_sum3A_439 = vector.multi_reduction <add>, %reduce_sum3A_437, %reduce_sum3A_438 [1, 2] : vector<1x1024x32xf32> to vector<1xf32>
    %reduce_sum3A_440 = vector.shape_cast %reduce_sum3A_439 : vector<1xf32> to vector<1x1x1xf32>
    %reduce_sum3A_441 = vector.extract %reduce_sum3A_440[0, 0, 0] : f32 from vector<1x1x1xf32>
    %add3A_442 = arith.addf %reduce_sum3A_435, %reduce_sum3A_441 : f32
    %add3A_443 = arith.addf %add3A_378, %add3A_442 : f32
    %mul3A_444 = arith.constant 8 : i32
    %mul3A_445 = arith.muli %arg0, %mul3A_444 : i32
    %add3A_446 = arith.constant 7 : i32
    %add3A_447 = arith.addi %mul3A_445, %add3A_446 : i32
    %get3A_448 = arith.constant 7 : index
    %get3A_449 = arith.constant 0 : index
    %get3A_450 = arith.constant 0 : index
    %get3A_451 = vector.load %arg1[%get3A_448, %get3A_449, %get3A_450] : memref<8x1024x32xf32, #tpu.memory_space<vmem>>, vector<1x1024x32xf32>
    %get3A_452 = vector.shape_cast %get3A_451 : vector<1x1024x32xf32> to vector<1024x32xf32>
    %get3A_453 = arith.constant 7 : index
    %get3A_454 = arith.constant 0 : index
    %get3A_455 = arith.constant 0 : index
    %get3A_456 = vector.load %arg2[%get3A_453, %get3A_454, %get3A_455] : memref<8x512x32xf32, #tpu.memory_space<vmem>>, vector<1x512x32xf32>
    %get3A_457 = vector.shape_cast %get3A_456 : vector<1x512x32xf32> to vector<512x32xf32>
    %mul3A_458 = arith.mulf %get3A_457, %get3A_457 : vector<512x32xf32>
    %reduce_sum3A_459 = arith.constant dense<0.000000e+00> : vector<512xf32>
    %reduce_sum3A_460 = vector.multi_reduction <add>, %mul3A_458, %reduce_sum3A_459 [1] : vector<512x32xf32> to vector<512xf32>
    %broadcast_in_dim3A_461 = vector.shape_cast %reduce_sum3A_460 : vector<512xf32> to vector<512x1xf32>
    %mul3A_462 = arith.constant -2.000000e+00 : f32
    %mul3A_463 = vector.broadcast %mul3A_462 : f32 to vector<512x32xf32>
    %mul3A_464 = arith.mulf %get3A_457, %mul3A_463 : vector<512x32xf32>
    %dot_general3A_465 = arith.constant dense<0.000000e+00> : vector<512x1024xf32>
    %dot_general3A_466 = tpu.matmul %mul3A_464, %get3A_452, %dot_general3A_465 {dimension_numbers = #tpu.dot_dimension_numbers<[1], [1], [0], [0], [0, 0, 1, 0], [], []>, precision = #tpu.contract_precision<fp32>, transpose_lhs_hint = false} : vector<512x32xf32>, vector<1024x32xf32>, vector<512x1024xf32> -> vector<512x1024xf32>
    %add3A_467 = vector.broadcast %broadcast_in_dim3A_461 : vector<512x1xf32> to vector<512x1024xf32>
    %add3A_468 = arith.addf %add3A_467, %dot_general3A_466 : vector<512x1024xf32>
    %reduce_min3A_469 = arith.constant dense<0x7F800000> : vector<1024xf32>
    %reduce_min3A_470 = vector.multi_reduction <minimumf>, %add3A_468, %reduce_min3A_469 [0] : vector<512x1024xf32> to vector<1024xf32>
    %broadcast_in_dim3A_471 = vector.shape_cast %reduce_min3A_470 : vector<1024xf32> to vector<1x1024xf32>
    %iota3A_472 = tpu.iota {dimensions = array<i32: 0>} : vector<512x1024xi32>
    %eq3A_473 = vector.broadcast %broadcast_in_dim3A_471 : vector<1x1024xf32> to vector<512x1024xf32>
    %eq3A_474 = arith.cmpf oeq, %add3A_468, %eq3A_473 : vector<512x1024xf32>
    %jit3A_475 = arith.constant 512 : i32
    %broadcast_in_dim3A_476 = vector.broadcast %jit3A_475 : i32 to vector<512x1024xi32>
    %select_n3A_477 = arith.select %eq3A_474, %iota3A_472, %broadcast_in_dim3A_476 : vector<512x1024xi1>, vector<512x1024xi32>
    %reduce_min3A_478 = arith.constant dense<2147483647> : vector<1024xi32>
    %reduce_min3A_479 = vector.multi_reduction <minsi>, %select_n3A_477, %reduce_min3A_478 [0] : vector<512x1024xi32> to vector<1024xi32>
    %swap3A_480 = arith.constant 7 : index
    %swap3A_481 = arith.constant 0 : index
    %swap3A_482 = arith.constant 0 : index
    %swap3A_483 = vector.load %arg3[%swap3A_480, %swap3A_481, %swap3A_482] : memref<8x1x1024xi32, #tpu.memory_space<vmem>>, vector<1x1x1024xi32>
    %swap3A_484 = vector.shape_cast %swap3A_483 : vector<1x1x1024xi32> to vector<1024xi32>
    %swap3A_485 = vector.shape_cast %reduce_min3A_479 : vector<1024xi32> to vector<1x1x1024xi32>
    tpu.vector_store %arg3[%swap3A_480, %swap3A_481, %swap3A_482], %swap3A_485 {strides = array<i32>} : memref<8x1x1024xi32, #tpu.memory_space<vmem>>, vector<1x1x1024xi32>,
    %mul3A_486 = arith.constant 512 : i32
    %mul3A_487 = arith.muli %add3A_447, %mul3A_486 : i32
    %add3A_488 = vector.broadcast %mul3A_487 : i32 to vector<1024xi32>
    %add3A_489 = arith.addi %reduce_min3A_479, %add3A_488 : vector<1024xi32>
    %swap3A_490 = arith.constant 7 : index
    %swap3A_491 = arith.constant 0 : index
    %swap3A_492 = arith.constant 0 : index
    %swap3A_493 = vector.load %arg4[%swap3A_490, %swap3A_491, %swap3A_492] : memref<8x1x1024xi32, #tpu.memory_space<vmem>>, vector<1x1x1024xi32>
    %swap3A_494 = vector.shape_cast %swap3A_493 : vector<1x1x1024xi32> to vector<1024xi32>
    %swap3A_495 = vector.shape_cast %add3A_489 : vector<1024xi32> to vector<1x1x1024xi32>
    tpu.vector_store %arg4[%swap3A_490, %swap3A_491, %swap3A_492], %swap3A_495 {strides = array<i32>} : memref<8x1x1024xi32, #tpu.memory_space<vmem>>, vector<1x1x1024xi32>,
    %reduce_sum3A_496 = vector.shape_cast %broadcast_in_dim3A_471 : vector<1x1024xf32> to vector<1x1x1024xf32>
    %reduce_sum3A_497 = arith.constant dense<0.000000e+00> : vector<1xf32>
    %reduce_sum3A_498 = vector.multi_reduction <add>, %reduce_sum3A_496, %reduce_sum3A_497 [1, 2] : vector<1x1x1024xf32> to vector<1xf32>
    %reduce_sum3A_499 = vector.shape_cast %reduce_sum3A_498 : vector<1xf32> to vector<1x1x1xf32>
    %reduce_sum3A_500 = vector.extract %reduce_sum3A_499[0, 0, 0] : f32 from vector<1x1x1xf32>
    %mul3A_501 = arith.mulf %get3A_452, %get3A_452 : vector<1024x32xf32>
    %reduce_sum3A_502 = vector.shape_cast %mul3A_501 : vector<1024x32xf32> to vector<1x1024x32xf32>
    %reduce_sum3A_503 = arith.constant dense<0.000000e+00> : vector<1xf32>
    %reduce_sum3A_504 = vector.multi_reduction <add>, %reduce_sum3A_502, %reduce_sum3A_503 [1, 2] : vector<1x1024x32xf32> to vector<1xf32>
    %reduce_sum3A_505 = vector.shape_cast %reduce_sum3A_504 : vector<1xf32> to vector<1x1x1xf32>
    %reduce_sum3A_506 = vector.extract %reduce_sum3A_505[0, 0, 0] : f32 from vector<1x1x1xf32>
    %add3A_507 = arith.addf %reduce_sum3A_500, %reduce_sum3A_506 : f32
    %add3A_508 = arith.addf %add3A_443, %add3A_507 : f32
    %eq3A_509 = arith.constant 0 : i32
    %eq3A_510 = arith.cmpi eq, %arg0, %eq3A_509 : i32
    %convert_element_type3A = arith.extui %eq3A_510 : i1 to i32
    %cond3A = arith.constant 0 : i32
    %cond3A_511 = arith.cmpi ne, %convert_element_type3A, %cond3A : i32
    scf.if %cond3A_511 {
      %broadcast_in_dim3A_520 = arith.constant 0.000000e+00 : f32
      %broadcast_in_dim3A_521 = vector.broadcast %broadcast_in_dim3A_520 : f32 to vector<1x1xf32>
      %swap3A_522 = arith.constant 0 : index
      %swap3A_523 = arith.constant 0 : index
      %swap3A_524 = vector.load %arg5[%swap3A_522, %swap3A_523] : memref<1x1xf32, #tpu.memory_space<vmem>>, vector<1x1xf32>
      tpu.vector_store %arg5[%swap3A_522, %swap3A_523], %broadcast_in_dim3A_521 {strides = array<i32>} : memref<1x1xf32, #tpu.memory_space<vmem>>, vector<1x1xf32>,
    } else {
    }
    %get3A_512 = arith.constant 0 : index
    %get3A_513 = arith.constant 0 : index
    %get3A_514 = vector.load %arg5[%get3A_512, %get3A_513] : memref<1x1xf32, #tpu.memory_space<vmem>>, vector<1x1xf32>
    %add3A_515 = vector.broadcast %add3A_508 : f32 to vector<1x1xf32>
    %add3A_516 = arith.addf %get3A_514, %add3A_515 : vector<1x1xf32>
    %swap3A_517 = arith.constant 0 : index
    %swap3A_518 = arith.constant 0 : index
    %swap3A_519 = vector.load %arg5[%swap3A_517, %swap3A_518] : memref<1x1xf32, #tpu.memory_space<vmem>>, vector<1x1xf32>
    tpu.vector_store %arg5[%swap3A_517, %swap3A_518], %add3A_516 {strides = array<i32>} : memref<1x1xf32, #tpu.memory_space<vmem>>, vector<1x1xf32>,
    return
  }
  func.func @transform_0(%arg0: i32) -> (i32, i32, i32) {
    %c0_i32 = arith.constant 0 : i32
    %c0_i32_0 = arith.constant 0 : i32
    %c0_i32_1 = arith.constant 0 : i32
    return %arg0, %c0_i32, %c0_i32_0 : i32, i32, i32
  }
  func.func @transform_1(%arg0: i32) -> (i32, i32, i32) {
    %c0_i32 = arith.constant 0 : i32
    %c0_i32_0 = arith.constant 0 : i32
    %c0_i32_1 = arith.constant 0 : i32
    return %arg0, %c0_i32, %c0_i32_0 : i32, i32, i32
  }
  func.func @transform_2(%arg0: i32) -> (i32, i32, i32) {
    %c0_i32 = arith.constant 0 : i32
    %c0_i32_0 = arith.constant 0 : i32
    %c0_i32_1 = arith.constant 0 : i32
    return %arg0, %c0_i32, %c0_i32_0 : i32, i32, i32
  }
  func.func @transform_3(%arg0: i32) -> (i32, i32, i32) {
    %c0_i32 = arith.constant 0 : i32
    %c0_i32_0 = arith.constant 0 : i32
    %c0_i32_1 = arith.constant 0 : i32
    return %arg0, %c0_i32, %c0_i32_0 : i32, i32, i32
  }
  func.func @transform_4(%arg0: i32) -> (i32, i32) {
    %c0_i32 = arith.constant 0 : i32
    %c0_i32_0 = arith.constant 0 : i32
    %c0_i32_1 = arith.constant 0 : i32
    return %c0_i32, %c0_i32_0 : i32, i32
  }
}

</mosaic_0001>

<sc_bundles>
// kernel: kernel.4.cloned.1.call-start
scs
__scs_entry_jumppad:
0x0: {  	(pc) =	sbr.rel $0x88, $3  }
0x1: {  	(tag) =	ssettag $0x0;
	lr =	simm.s32 $0x1  }
0x2: {  	[smem:$0x3F9F] =	sst lr;
	_ =	strace $0xD0000000  }
0x3: {  	_ = 	snop  }
0x4: {  	_ = 	snop  }
0x5: {  	_ = 	snop  }
0x6: {  	_ = 	snop  }
0x7: {  	_ = 	snop  }
__scs_overlays_trampoline_lowered:
0x8: {  	[smem:$0x3FAE] =	sst s0  }
0x9: {  	[smem:$0x3FAF] =	sst s1  }
0xa: {  	[smem:$0x3FB0] =	sst s2  }
0xb: {  	[smem:$0x3FB1] =	sst s3  }
0xc: {  	[smem:$0x3FB2] =	sst s4  }
0xd: {  	[smem:$0x3FB3] =	sst s5  }
0xe: {  	[smem:$0x3FB4] =	sst s6  }
0xf: {  	[smem:$0x3FB5] =	sst s7  }
0x10: {  	[smem:$0x3FB6] =	sst s8  }
0x11: {  	[smem:$0x3FB7] =	sst s9;
	s0 =	simm.s32 @!p0 $0x0  }
0x12: {  	s1 =	sld [smem:$0x3F9D];
	s0 =	simm.s32 @p0 $0x1  }
0x13: {  	[smem:$0x3FB8] =	sst s0;
	s0 =	simm.s32 @!p1 $0x0  }
0x14: {  	s2 =	sld [smem:$0x3F9C];
	s0 =	simm.s32 @p1 $0x1  }
0x15: {  	[smem:$0x3FB9] =	sst s0;
	s0 =	simm.s32 @!p2 $0x0  }
0x16: {  	s3 =	sld [smem:$0x3FDB];
	s0 =	simm.s32 @p2 $0x1  }
0x17: {  	s4 =	simm.s32 $0x1BF5;
	[smem:$0x3FBB] =	sst s0  }
0x18: {  	s0 =	sld [smem:$0x3F9E];
	_ =	swait.ge [sflag:s4], $0x0  }
0x19: {  	s7 =	sld [smem:$0x3F9F]  }
0x1a: {  	s8 =	sadd.s32 $0xFFFFE003, lr  }
0x1b: {  	s9 =	sadd.s32 $0xFFFFFEF7, lr;
	s5 =	simm.s32 $0xFFFFFFFF;
	p2 =	slt.u32 s8, $0xFFFFF086  }
0x1c: {  	p1 =	slt.u32 s9, $0xF7A;
	s5 =	simm.s32 @!p2 $0x0  }
0x1d: {  	s5 =	simm.s32 @p1 $0x1;
	p0 =	seq.s32 s7, s2  }
0x1e: {  	s7 =	smul.u32 @!p0 $0xF7A, s2;
	p2 =	seq.s32 @!p0 s5, $0x0  }
0x1f: {  	s9 =	smul.u32 $0xF7A, s1;
	s8 =	simm.s32 @!p0 $0x1BF5;
	p2 =	por !p2, p0  }
0x20: {  	[sflag:s8] =	ssyncset.s32 @!p0 $0xFFFFF086;
	s6 =	sadd.s32 @!p0 s3, s7;
	s7 =	simm.s32 @!p0 $0x108  }
0x21: {  	s3 =	sadd.s32 s3, s9;
	s6 =	sadd.s32 @!p0 $0x88, s6;
	s7 =	simm.s32 @p2 $0x1082  }
0x22: {  	[simem:s7], [sflag:s8] =	dma.local @!p0 [hbm:s6], $0xF7A  }
0x23: {  	s9 =	sor.u32 $0xD0000000, s2;
	s6 =	simm.s32 $0x108;
	_ =	swait.ge @!p0 [sflag:s8], $0x0  }
0x24: {  	s3 =	sadd.s32 $0x88, s3;
	s6 =	simm.s32 @!p1 $0x1082;
	[sflag:s4] =	ssyncset.s32 $0xFFFFF086  }
0x25: {  	[simem:s6], [sflag:s4] =	dma.local [hbm:s3], $0xF7A  }
0x26: {  	[smem:$0x3F9F] =	sst s1;
	(tag) =	ssettag s2;
	_ =	strace s9  }
0x27: {  	s1 =	sld [smem:$0x3FAF]  }
0x28: {  	s2 =	sld [smem:$0x3FB0]  }
0x29: {  	s4 =	sld [smem:$0x3FB2]  }
0x2a: {  	p0 =	seq.s32 s5, $0x0;
	s5 =	sld [smem:$0x3FB3]  }
0x2b: {  	s6 =	sld [smem:$0x3FB4]  }
0x2c: {  	s7 =	sld [smem:$0x3FB5]  }
0x2d: {  	s3 =	simm.s32 $0x108;
	s8 =	sld [smem:$0x3FB6]  }
0x2e: {  	s3 =	simm.s32 @!p0 $0x1082;
	s9 =	sld [smem:$0x3FB7]  }
0x2f: {  	lr =	sadd.s32 s0, s3;
	s0 =	sld [smem:$0x3FAE]  }
0x30: {  	s3 =	sld [smem:$0x3FB1]  }
0x31: {  	[smem:$0x3FBA] =	sst s10  }
0x32: {  	s10 =	sld [smem:$0x3FB8];
	_ =	sdelay $0x3  }
0x33: {  	p0 =	seq.s32 s10, $0x1;
	s10 =	sld [smem:$0x3FBA];
	_ =	sdelay $0x3  }
0x34: {  	[smem:$0x3FBA] =	sst s10  }
0x35: {  	s10 =	sld [smem:$0x3FB9];
	_ =	sdelay $0x3  }
0x36: {  	p1 =	seq.s32 s10, $0x1;
	s10 =	sld [smem:$0x3FBA];
	_ =	sdelay $0x3  }
0x37: {  	[smem:$0x3FBA] =	sst s10  }
0x38: {  	s10 =	sld [smem:$0x3FBB]  }
0x39: {  	_ = 	snop;
	(pc) =	sbr.ind lr, $3  }
0x3a: {  	_ = 	snop  }
0x3b: {  	_ = 	snop  }
0x3c: {  	p2 =	seq.s32 s10, $0x1;
	s10 =	sld [smem:$0x3FBA]  }
0x3d: {  	_ =	shalt  }
0x3e: {  	_ =	shalt  }
0x3f: {  	_ =	shalt  }
0x40: {  	_ =	shalt  }
0x41: {  	_ =	shalt  }
0x42: {  	_ =	shalt  }
0x43: {  	_ =	shalt  }
0x44: {  	_ =	shalt  }
0x45: {  	_ =	shalt  }
0x46: {  	_ =	shalt  }
0x47: {  	_ =	shalt  }
0x48: {  	_ =	shalt  }
0x49: {  	_ =	shalt  }
0x4a: {  	_ =	shalt  }
0x4b: {  	_ =	shalt  }
0x4c: {  	_ =	shalt  }
0x4d: {  	_ =	shalt  }
0x4e: {  	_ =	shalt  }
0x4f: {  	_ =	shalt  }
0x50: {  	_ =	shalt  }
0x51: {  	_ =	shalt  }
0x52: {  	_ =	shalt  }
0x53: {  	_ =	shalt  }
0x54: {  	_ =	shalt  }
0x55: {  	_ =	shalt  }
0x56: {  	_ =	shalt  }
0x57: {  	_ =	shalt  }
0x58: {  	_ =	shalt  }
0x59: {  	_ =	shalt  }
0x5a: {  	_ =	shalt  }
0x5b: {  	_ =	shalt  }
0x5c: {  	_ =	shalt  }
0x5d: {  	_ =	shalt  }
0x5e: {  	_ =	shalt  }
0x5f: {  	_ =	shalt  }
0x60: {  	_ =	shalt  }
0x61: {  	_ =	shalt  }
0x62: {  	_ =	shalt  }
0x63: {  	_ =	shalt  }
0x64: {  	_ =	shalt  }
0x65: {  	_ =	shalt  }
0x66: {  	_ =	shalt  }
0x67: {  	_ =	shalt  }
0x68: {  	_ =	shalt  }
0x69: {  	_ =	shalt  }
0x6a: {  	_ =	shalt  }
0x6b: {  	_ =	shalt  }
0x6c: {  	_ =	shalt  }
0x6d: {  	_ =	shalt  }
0x6e: {  	_ =	shalt  }
0x6f: {  	_ =	shalt  }
0x70: {  	_ =	shalt  }
0x71: {  	_ =	shalt  }
0x72: {  	_ =	shalt  }
0x73: {  	_ =	shalt  }
0x74: {  	_ =	shalt  }
0x75: {  	_ =	shalt  }
0x76: {  	_ =	shalt  }
0x77: {  	_ =	shalt  }
0x78: {  	_ =	shalt  }
0x79: {  	_ =	shalt  }
0x7a: {  	_ =	shalt  }
0x7b: {  	_ =	shalt  }
0x7c: {  	_ =	shalt  }
0x7d: {  	_ =	shalt  }
0x7e: {  	_ =	shalt  }
0x7f: {  	_ =	shalt  }
0x80: {  	_ =	shalt  }
0x81: {  	_ =	shalt  }
0x82: {  	_ =	shalt  }
0x83: {  	_ =	shalt  }
0x84: {  	_ =	shalt  }
0x85: {  	_ =	shalt  }
0x86: {  	_ =	shalt  }
0x87: {  	_ =	shalt  }
.Lfunc_end0:
.L_simem_size_0:
called_computation_lowered:
.L_overlay_start_0:
0x88: {  	s2 =	sld [smem:$0x3FD9]  }
0x89: {  	s3 =	sld [smem:$0x3FFE];
	_ =	sdelay $0x1  }
0x8a: {  	s1 =	srdreg.scid  }
0x8b: {  	s0 =	sand.u32 $0x1, s1  }
0x8c: {  	s14 =	sshll.u32 s0, $0xA;
	s2 =	sadd.s32 s3, s2  }
0x8d: {  	s2 =	sadd.s32 s2, s14  }
0x8e: {  	[smem:$0x3FC6] =	sst s2  }
0x8f: {  	_ = 	snop  }
0x90: {  	s2 =	sld [smem:$0x3FD0];
	_ =	sdelay $0x2  }
0x91: {  	s15 =	simm.s32 $0xA;
	s4 =	simm.s32 $0x10  }
0x92: {  	[smem:s4], [sflag:s15] =	dma.local [hbm:s2], $0x1  }
0x93: {  	_ =	swait.eq [sflag:s15], $0x1  }
0x94: {  	[sflag:s15] =	ssyncset.done $0x0  }
0x95: {  	[sflag:s15] =	ssyncadd.s32 $0xFFFFFFFF  }
0x96: {  	s16 =	sld [smem:$0x10];
	(tm) =	ssettm $0x1  }
0x97: {  	s17 =	sld [smem:$0x3FFB];
	_ =	sdelay $0x3  }
0x98: {  	_ =	strace s17  }
0x99: {  	s3 =	sld [smem:$0x3FFC];
	_ =	sdelay $0x3  }
0x9a: {  	_ =	strace s3  }
0x9b: {  	s3 =	sld [smem:$0x3FFD];
	_ =	sdelay $0x3  }
0x9c: {  	_ =	strace s3  }
0x9d: {  	_ =	strace $0x8FFFFFFF  }
0x9e: {  	s18 =	sld [smem:$0x3FDB];
	_ =	sdelay $0x1  }
0x9f: {  	s19 =	simm.s32 $_scs_section_size  }
0xa0: {  	s5 =	simm.s32 $_size__tile_overlayer_lowered;
	s6 =	simm.s32 $_tile_overlayer_lowered  }
0xa1: {  	s22 =	simm.s32 $0x1BFF;
	s21 =	sshll.u32 s6, $0x1;
	s3 =	sadd.s32 s19, s18  }
0xa2: {  	s7 =	simm.s32 $0x0;
	s20 =	sshll.u32 s5, $0x1;
	s5 =	sadd.s32 s21, s3  }
0xa3: {  	[timem:s7], [sflag:s22] =	dma.local [hbm:s5], s20  }
0xa4: {  	_ =	swait.ge [sflag:s22], s20  }
0xa5: {  	s4 =	ssub.s32 $0x0, s20;
	[sflag:s22] =	ssyncset.done $0x0  }
0xa6: {  	[sflag:s22] =	ssyncadd.s32 s4;
	_ =	sdelay $0x1  }
0xa7: {  	s23 =	simm.s32 $0x1B8B  }
0xa8: {  	_ =	swait.ge [sflag:s23], $0x1  }
0xa9: {  	[sflag:s23] =	ssyncset.done $0x0  }
0xaa: {  	s25 =	simm.s32 $0x1B8E;
	s24 =	sld [smem:$0x3FFE];
	[sflag:s23] =	ssyncadd.s32 $0xFFFFFFFF  }
0xab: {  	s26 =	simm.s32 $execute0_lowered;
	[smem:$0x3FD2] =	sst s25  }
0xac: {  	s5 =	sshll.u32 s26, $0x1;
	_ =	strace $0x80000046;
	[dreg:$0x1] =	wrdreg $0xFFFFFFFF  }
0xad: {  	s28 =	simm.s32 $_size_execute0_lowered;
	s3 =	sadd.s32 s3, s5;
	[dreg:$0x0] =	wrdreg $0x0  }
0xae: {  	s5 =	sshll.u32 s28, $0x1;
	[dreg:$0x2] =	wrdreg s3  }
0xaf: {  	[dreg:$0x3] =	wrdreg s5  }
0xb0: {  	[dreg:$0x4] =	wrdreg $0xC0  }
0xb1: {  	_ =	task [dreg:s7], $0x5FFFF  }
0xb2: {  	[dreg:$0x1] =	wrdreg $0xFFFFFFFF  }
0xb3: {  	[dreg:$0x0] =	wrdreg $0x60  }
0xb4: {  	[dreg:$0x2] =	wrdreg s24  }
0xb5: {  	[dreg:$0x3] =	wrdreg s16  }
0xb6: {  	[dreg:$0x4] =	wrdreg $0x9  }
0xb7: {  	_ =	task.clear_ibuf [dreg:s7], $0x5FFFF;
	_ =	strace $0x90000046  }
0xb8: {  	s29 =	simm.s32 $0x9;
	_ =	strace $0x80000048  }
0xb9: {  	_ =	swait.ge [sflag:s29], $0x1  }
0xba: {  	[sflag:s29] =	ssyncadd.s32 $0xFFFFFFFF  }
0xbb: {  	_ =	strace $0x90000048  }
0xbc: {  	_ =	sfence  }
0xbd: {  	s30 =	sld [smem:$0x0];
	_ =	sdelay $0x2  }
0xbe: {  	s31 =	sshll.u32 s1, $0xD;
	s1 =	sshrl.u32 s1, $0x2  }
0xbf: {  	s3 =	sand.u32 $0x4000, s31;
	s1 =	sadd.s32 s1, s30  }
0xc0: {  	s0 =	sor.u32 s3, s0;
	s1 =	sshll.u32 s1, $0x11  }
0xc1: {  	s0 =	sor.u32 s1, s0  }
0xc2: {  	s0 =	sadd.s32 $0x8F2B, s0  }
0xc3: {  	[sflag:s0] =	ssyncadd.remote.s32 $0x1  }
0xc4: {  	_ =	sfence.sel $0xFFFF  }
0xc5: {  	[dreg:$0x0] =	wrdreg $0xFFFFFFFF;
	(pc) =	sbr.abs _section_cstart, $3  }
0xc6: {  	[dreg:$0x1] =	wrdreg $0xFFFFFFFF  }
0xc7: {  	_ =	task.clear_ibuf [dreg:s7], $0x2FFFF;
	_ =	strace $0x9FFFFFFF  }
0xc8: {  	(tm) =	ssettm $0x7FFFFFFF  }
0xc9: {  	_ =	shalt  }
tec
execute0_lowered:
.L_overlay_start_1:
0x0: {  	(tag) =	ssettag $0x1  }
0x1: {  	s1 =	srdreg.scid;
	s2 =	stileid.u32  }
0x2: {  	s0 =	rddreg [dreg:$0x0];
	s1 =	sand.u32 $0x1, s1;
	s2 =	sshll.u32 s2, $0x1  }
0x3: {  	s3 =	rddreg [dreg:$0x1];
	s4 =	sor.u32 s1, s2;
	s2 =	simm.s32 $0x0  }
0x4: {  	s8 =	simm.s32 $0x1000;
	[smem:$0x7FF] =	sst s2  }
0x5: {  	s9 =	simm.s32 $0x80;
	_ =	strace $0x80000047;
	[dreg:$0x5] =	wrdreg s8  }
0x6: {  	s10 =	simm.s32 $0x1800;
	[dreg:$0x6] =	wrdreg s9  }
0x7: {  	s11 =	simm.s32 $0xC0;
	[dreg:$0x7] =	wrdreg s10  }
0x8: {  	s12 =	simm.s32 $0x2000;
	[dreg:$0x8] =	wrdreg s11  }
0x9: {  	s13 =	simm.s32 $0x100;
	[dreg:$0x9] =	wrdreg s12  }
0xa: {  	s14 =	simm.s32 $0x2800;
	[dreg:$0xa] =	wrdreg s13  }
0xb: {  	s15 =	simm.s32 $0x140;
	[dreg:$0xb] =	wrdreg s14  }
0xc: {  	s16 =	simm.s32 $0x3000;
	[dreg:$0xc] =	wrdreg s15  }
0xd: {  	s17 =	simm.s32 $0x180;
	[dreg:$0xd] =	wrdreg s16  }
0xe: {  	s18 =	simm.s32 $0x3800;
	[dreg:$0xe] =	wrdreg s17  }
0xf: {  	s19 =	simm.s32 $0x1C0;
	[dreg:$0xf] =	wrdreg s18  }
0x10: {  	s20 =	simm.s32 $0x4000;
	[dreg:$0x10] =	wrdreg s19  }
0x11: {  	s21 =	simm.s32 $0x200;
	[dreg:$0x11] =	wrdreg s20  }
0x12: {  	s22 =	simm.s32 $0x4800;
	[dreg:$0x12] =	wrdreg s21  }
0x13: {  	s23 =	simm.s32 $0x240;
	[dreg:$0x13] =	wrdreg s22  }
0x14: {  	s24 =	simm.s32 $0x5000;
	[dreg:$0x14] =	wrdreg s23  }
0x15: {  	s25 =	simm.s32 $0x280;
	[dreg:$0x15] =	wrdreg s24  }
0x16: {  	s26 =	simm.s32 $0x5800;
	[dreg:$0x16] =	wrdreg s25  }
0x17: {  	s6 =	simm.s32 $0x300;
	s7 =	simm.s32 $0x6800;
	[dreg:$0x17] =	wrdreg s26  }
0x18: {  	s5 =	sshll.u32 s4, $0x8;
	s4 =	sshll.u32 s4, $0xD;
	[dreg:$0x1a] =	wrdreg s6  }
0x19: {  	s3 =	sadd.s32 s3, s4;
	[dreg:$0x1b] =	wrdreg s7  }
0x1a: {  	s4 =	simm.s32 $0x2C0;
	[dreg:$0x4] =	wrdreg s3  }
0x1b: {  	s8 =	simm.s32 $0x340;
	[dreg:$0x18] =	wrdreg s4  }
0x1c: {  	s9 =	simm.s32 $0x7000;
	[dreg:$0x1c] =	wrdreg s8  }
0x1d: {  	s10 =	simm.s32 $0x380;
	[dreg:$0x1d] =	wrdreg s9  }
0x1e: {  	s11 =	simm.s32 $0x7800;
	[dreg:$0x1e] =	wrdreg s10  }
0x1f: {  	s12 =	simm.s32 $0x3C0;
	[dreg:$0x1f] =	wrdreg s11  }
0x20: {  	s13 =	simm.s32 $0x8000;
	[smem:$0x7F8] =	sst s12  }
0x21: {  	s14 =	simm.s32 $0x400;
	[smem:$0x7F7] =	sst s13  }
0x22: {  	s15 =	simm.s32 $0x8800;
	[smem:$0x7F9] =	sst s14  }
0x23: {  	s16 =	simm.s32 $0x440;
	[smem:$0x7F6] =	sst s15  }
0x24: {  	s17 =	simm.s32 $0x9000;
	[smem:$0x7FA] =	sst s16  }
0x25: {  	s18 =	simm.s32 $0x480;
	[smem:$0x7F5] =	sst s17  }
0x26: {  	s19 =	simm.s32 $0x9800;
	[smem:$0x7FB] =	sst s18  }
0x27: {  	s20 =	simm.s32 $0x4C0;
	[smem:$0x7F4] =	sst s19  }
0x28: {  	s21 =	simm.s32 $0xA000;
	[smem:$0x7FC] =	sst s20  }
0x29: {  	s5 =	sadd.s32 s5, s0;
	s23 =	simm.s32 $0x500;
	[smem:$0x7F3] =	sst s21  }
0x2a: {  	s5 =	sadd.s32 $0x800, s5;
	[smem:$0x7FD] =	sst s23  }
0x2b: {  	[dreg:$0x3] =	wrdreg s5;
	s5 =	simm.s32 $0x6000  }
0x2c: {  	[dreg:$0x19] =	wrdreg s5  }
0x2d: {  	s3 =	simm.s32 $0x2;
	s22 =	rddreg [dreg:$0x3]  }
0x2e: {  	[tilespmem:s2], [sflag:$0x2] =	stream.linear.gather [hbm4b:s22+s2], $0x800, $0x38;
	[tilespmem:$0x10800] =	vst v63  }
0x2f: {  	_ =	swait.ge [sflag:s3], $0x800  }
0x30: {  	s7 =	sld [smem:$0x7F3]  }
0x31: {  	s8 =	sld [smem:$0x7F4]  }
0x32: {  	s9 =	sld [smem:$0x7F5]  }
0x33: {  	s10 =	sld [smem:$0x7F6]  }
0x34: {  	s11 =	sld [smem:$0x7F7]  }
0x35: {  	s12 =	rddreg [dreg:$0x1f]  }
0x36: {  	s13 =	rddreg [dreg:$0x1d]  }
0x37: {  	s14 =	rddreg [dreg:$0x1b]  }
0x38: {  	s15 =	rddreg [dreg:$0x19]  }
0x39: {  	s16 =	rddreg [dreg:$0x17]  }
0x3a: {  	s17 =	rddreg [dreg:$0x15]  }
0x3b: {  	s18 =	rddreg [dreg:$0x13]  }
0x3c: {  	s19 =	rddreg [dreg:$0x11]  }
0x3d: {  	s20 =	rddreg [dreg:$0xf]  }
0x3e: {  	s24 =	rddreg [dreg:$0x6]  }
0x3f: {  	s6 =	simm.s32 $0x40;
	s21 =	rddreg [dreg:$0x5]  }
0x40: {  	s4 =	simm.s32 $0x800;
	[sflag:s3] =	ssyncset.done $0x0;
	s22 =	rddreg [dreg:$0x7]  }
0x41: {  	s5 =	sadd.s32 $0x2800, s0;
	s23 =	rddreg [dreg:$0x9];
	[sflag:s3] =	ssyncadd.s32 $0xFFFFF800  }
0x42: {  	[tilespmem:s4], [sflag:$0x1] =	stream.indirect.gather [hbm4b:s5+s6], $0x20, s2, s6, $0xb8;
	[tilespmem:$0x10800] =	vst v63  }
0x43: {  	s25 =	rddreg [dreg:$0x8]  }
0x44: {  	[tilespmem:s21], [sflag:$0x1] =	stream.indirect.gather [hbm4b:s5+s6], $0x20, s6, s6, $0xb8;
	[tilespmem:$0x10800] =	vst v63  }
0x45: {  	s26 =	rddreg [dreg:$0xa]  }
0x46: {  	[tilespmem:s22], [sflag:$0x1] =	stream.indirect.gather [hbm4b:s5+s6], $0x20, s24, s6, $0xb8;
	[tilespmem:$0x10800] =	vst v63  }
0x47: {  	s22 =	rddreg [dreg:$0xb]  }
0x48: {  	s24 =	rddreg [dreg:$0xd]  }
0x49: {  	[tilespmem:s23], [sflag:$0x1] =	stream.indirect.gather [hbm4b:s5+s6], $0x20, s25, s6, $0xb8;
	[tilespmem:$0x10800] =	vst v63  }
0x4a: {  	s25 =	rddreg [dreg:$0xc]  }
0x4b: {  	[tilespmem:s22], [sflag:$0x1] =	stream.indirect.gather [hbm4b:s5+s6], $0x20, s26, s6, $0xb8;
	[tilespmem:$0x10800] =	vst v63  }
0x4c: {  	s23 =	rddreg [dreg:$0x12]  }
0x4d: {  	[tilespmem:s24], [sflag:$0x1] =	stream.indirect.gather [hbm4b:s5+s6], $0x20, s25, s6, $0xb8;
	[tilespmem:$0x10800] =	vst v63  }
0x4e: {  	s26 =	rddreg [dreg:$0xe]  }
0x4f: {  	[tilespmem:s20], [sflag:$0x1] =	stream.indirect.gather [hbm4b:s5+s6], $0x20, s26, s6, $0xb8;
	[tilespmem:$0x10800] =	vst v63  }
0x50: {  	s22 =	rddreg [dreg:$0x10]  }
0x51: {  	[tilespmem:s19], [sflag:$0x1] =	stream.indirect.gather [hbm4b:s5+s6], $0x20, s22, s6, $0xb8;
	[tilespmem:$0x10800] =	vst v63  }
0x52: {  	s24 =	rddreg [dreg:$0x14]  }
0x53: {  	[tilespmem:s18], [sflag:$0x1] =	stream.indirect.gather [hbm4b:s5+s6], $0x20, s23, s6, $0xb8;
	[tilespmem:$0x10800] =	vst v63  }
0x54: {  	s25 =	rddreg [dreg:$0x16]  }
0x55: {  	[tilespmem:s17], [sflag:$0x1] =	stream.indirect.gather [hbm4b:s5+s6], $0x20, s24, s6, $0xb8;
	[tilespmem:$0x10800] =	vst v63  }
0x56: {  	s26 =	rddreg [dreg:$0x18]  }
0x57: {  	[tilespmem:s16], [sflag:$0x1] =	stream.indirect.gather [hbm4b:s5+s6], $0x20, s25, s6, $0xb8;
	[tilespmem:$0x10800] =	vst v63  }
0x58: {  	s20 =	sld [smem:$0x7F8]  }
0x59: {  	[tilespmem:s15], [sflag:$0x1] =	stream.indirect.gather [hbm4b:s5+s6], $0x20, s26, s6, $0xb8;
	[tilespmem:$0x10800] =	vst v63  }
0x5a: {  	s16 =	rddreg [dreg:$0x1a]  }
0x5b: {  	[tilespmem:s14], [sflag:$0x1] =	stream.indirect.gather [hbm4b:s5+s6], $0x20, s16, s6, $0xb8;
	[tilespmem:$0x10800] =	vst v63  }
0x5c: {  	s18 =	rddreg [dreg:$0x1c]  }
0x5d: {  	[tilespmem:s13], [sflag:$0x1] =	stream.indirect.gather [hbm4b:s5+s6], $0x20, s18, s6, $0xb8;
	[tilespmem:$0x10800] =	vst v63  }
0x5e: {  	s19 =	rddreg [dreg:$0x1e]  }
0x5f: {  	[tilespmem:s12], [sflag:$0x1] =	stream.indirect.gather [hbm4b:s5+s6], $0x20, s19, s6, $0xb8;
	[tilespmem:$0x10800] =	vst v63  }
0x60: {  	s21 =	sld [smem:$0x7F9]  }
0x61: {  	[tilespmem:s11], [sflag:$0x1] =	stream.indirect.gather [hbm4b:s5+s6], $0x20, s20, s6, $0xb8;
	[tilespmem:$0x10800] =	vst v63  }
0x62: {  	s22 =	sld [smem:$0x7FA]  }
0x63: {  	[tilespmem:s10], [sflag:$0x1] =	stream.indirect.gather [hbm4b:s5+s6], $0x20, s21, s6, $0xb8;
	[tilespmem:$0x10800] =	vst v63  }
0x64: {  	s23 =	sld [smem:$0x7FB]  }
0x65: {  	[tilespmem:s9], [sflag:$0x1] =	stream.indirect.gather [hbm4b:s5+s6], $0x20, s22, s6, $0xb8;
	[tilespmem:$0x10800] =	vst v63  }
0x66: {  	s24 =	sld [smem:$0x7FC]  }
0x67: {  	[tilespmem:s8], [sflag:$0x1] =	stream.indirect.gather [hbm4b:s5+s6], $0x20, s23, s6, $0xb8;
	[tilespmem:$0x10800] =	vst v63  }
0x68: {  	s25 =	sld [smem:$0x7FD]  }
0x69: {  	[tilespmem:s7], [sflag:$0x1] =	stream.indirect.gather [hbm4b:s5+s6], $0x20, s24, s6, $0xb8;
	[tilespmem:$0x10800] =	vst v63  }
0x6a: {  	s26 =	simm.s32 $0xA800  }
0x6b: {  	[tilespmem:s26], [sflag:$0x1] =	stream.indirect.gather [hbm4b:s5+s6], $0x20, s25, s6, $0xb8;
	[tilespmem:$0x10800] =	vst v63  }
0x6c: {  	s9 =	simm.s32 $0xB000;
	s8 =	simm.s32 $0x540  }
0x6d: {  	[tilespmem:s9], [sflag:$0x1] =	stream.indirect.gather [hbm4b:s5+s6], $0x20, s8, s6, $0xb8;
	[tilespmem:$0x10800] =	vst v63  }
0x6e: {  	s11 =	simm.s32 $0xB800;
	s10 =	simm.s32 $0x580  }
0x6f: {  	[tilespmem:s11], [sflag:$0x1] =	stream.indirect.gather [hbm4b:s5+s6], $0x20, s10, s6, $0xb8;
	[tilespmem:$0x10800] =	vst v63  }
0x70: {  	s13 =	simm.s32 $0xC000;
	s12 =	simm.s32 $0x5C0  }
0x71: {  	[tilespmem:s13], [sflag:$0x1] =	stream.indirect.gather [hbm4b:s5+s6], $0x20, s12, s6, $0xb8;
	[tilespmem:$0x10800] =	vst v63  }
0x72: {  	s15 =	simm.s32 $0xC800;
	s14 =	simm.s32 $0x600  }
0x73: {  	[tilespmem:s15], [sflag:$0x1] =	stream.indirect.gather [hbm4b:s5+s6], $0x20, s14, s6, $0xb8;
	[tilespmem:$0x10800] =	vst v63  }
0x74: {  	s17 =	simm.s32 $0xD000;
	s16 =	simm.s32 $0x640  }
0x75: {  	[tilespmem:s17], [sflag:$0x1] =	stream.indirect.gather [hbm4b:s5+s6], $0x20, s16, s6, $0xb8;
	[tilespmem:$0x10800] =	vst v63  }
0x76: {  	s18 =	simm.s32 $0x680;
	s19 =	simm.s32 $0xD800  }
0x77: {  	[tilespmem:s19], [sflag:$0x1] =	stream.indirect.gather [hbm4b:s5+s6], $0x20, s18, s6, $0xb8;
	[tilespmem:$0x10800] =	vst v63  }
0x78: {  	s20 =	simm.s32 $0x6C0;
	s21 =	simm.s32 $0xE000  }
0x79: {  	[tilespmem:s21], [sflag:$0x1] =	stream.indirect.gather [hbm4b:s5+s6], $0x20, s20, s6, $0xb8;
	[tilespmem:$0x10800] =	vst v63  }
0x7a: {  	s22 =	simm.s32 $0x700;
	s23 =	simm.s32 $0xE800  }
0x7b: {  	[tilespmem:s23], [sflag:$0x1] =	stream.indirect.gather [hbm4b:s5+s6], $0x20, s22, s6, $0xb8;
	[tilespmem:$0x10800] =	vst v63  }
0x7c: {  	s24 =	simm.s32 $0x740;
	s25 =	simm.s32 $0xF000  }
0x7d: {  	[tilespmem:s25], [sflag:$0x1] =	stream.indirect.gather [hbm4b:s5+s6], $0x20, s24, s6, $0xb8;
	[tilespmem:$0x10800] =	vst v63  }
0x7e: {  	s28 =	simm.s32 $0x780;
	s29 =	simm.s32 $0xF800  }
0x7f: {  	[tilespmem:s29], [sflag:$0x1] =	stream.indirect.gather [hbm4b:s5+s6], $0x20, s28, s6, $0xb8;
	[tilespmem:$0x10800] =	vst v63  }
0x80: {  	s30 =	simm.s32 $0x7C0;
	s31 =	simm.s32 $0x10000;
	s20 =	simm.s32 $0x1  }
0x81: {  	[tilespmem:s31], [sflag:$0x1] =	stream.indirect.gather [hbm4b:s5+s6], $0x20, s30, s6, $0xb8;
	[tilespmem:$0x10800] =	vst v63  }
0x82: {  	_ =	swait.ge [sflag:s20], $0x800  }
0x83: {  	[sflag:s20] =	ssyncset.done $0x0  }
0x84: {  	[sflag:s20] =	ssyncadd.s32 $0xFFFFF800  }
0x85: {  	_ =	swait.ge [sflag:s20], $0x800  }
0x86: {  	[sflag:s20] =	ssyncset.done $0x0  }
0x87: {  	[sflag:s20] =	ssyncadd.s32 $0xFFFFF800  }
0x88: {  	_ =	swait.ge [sflag:s20], $0x800  }
0x89: {  	[sflag:s20] =	ssyncset.done $0x0  }
0x8a: {  	[sflag:s20] =	ssyncadd.s32 $0xFFFFF800  }
0x8b: {  	_ =	swait.ge [sflag:s20], $0x800  }
0x8c: {  	[sflag:s20] =	ssyncset.done $0x0  }
0x8d: {  	[sflag:s20] =	ssyncadd.s32 $0xFFFFF800  }
0x8e: {  	_ =	swait.ge [sflag:s20], $0x800  }
0x8f: {  	[sflag:s20] =	ssyncset.done $0x0  }
0x90: {  	[sflag:s20] =	ssyncadd.s32 $0xFFFFF800  }
0x91: {  	_ =	swait.ge [sflag:s20], $0x800  }
0x92: {  	[sflag:s20] =	ssyncset.done $0x0  }
0x93: {  	[sflag:s20] =	ssyncadd.s32 $0xFFFFF800  }
0x94: {  	_ =	swait.ge [sflag:s20], $0x800  }
0x95: {  	[sflag:s20] =	ssyncset.done $0x0  }
0x96: {  	[sflag:s20] =	ssyncadd.s32 $0xFFFFF800  }
0x97: {  	_ =	swait.ge [sflag:s20], $0x800  }
0x98: {  	[sflag:s20] =	ssyncset.done $0x0  }
0x99: {  	[sflag:s20] =	ssyncadd.s32 $0xFFFFF800  }
0x9a: {  	_ =	swait.ge [sflag:s20], $0x800  }
0x9b: {  	[sflag:s20] =	ssyncset.done $0x0  }
0x9c: {  	[sflag:s20] =	ssyncadd.s32 $0xFFFFF800  }
0x9d: {  	_ =	swait.ge [sflag:s20], $0x800  }
0x9e: {  	[sflag:s20] =	ssyncset.done $0x0  }
0x9f: {  	[sflag:s20] =	ssyncadd.s32 $0xFFFFF800  }
0xa0: {  	_ =	swait.ge [sflag:s20], $0x800  }
0xa1: {  	[sflag:s20] =	ssyncset.done $0x0  }
0xa2: {  	[sflag:s20] =	ssyncadd.s32 $0xFFFFF800  }
0xa3: {  	_ =	swait.ge [sflag:s20], $0x800  }
0xa4: {  	[sflag:s20] =	ssyncset.done $0x0  }
0xa5: {  	[sflag:s20] =	ssyncadd.s32 $0xFFFFF800  }
0xa6: {  	_ =	swait.ge [sflag:s20], $0x800  }
0xa7: {  	[sflag:s20] =	ssyncset.done $0x0  }
0xa8: {  	[sflag:s20] =	ssyncadd.s32 $0xFFFFF800  }
0xa9: {  	_ =	swait.ge [sflag:s20], $0x800  }
0xaa: {  	[sflag:s20] =	ssyncset.done $0x0  }
0xab: {  	[sflag:s20] =	ssyncadd.s32 $0xFFFFF800  }
0xac: {  	_ =	swait.ge [sflag:s20], $0x800  }
0xad: {  	[sflag:s20] =	ssyncset.done $0x0  }
0xae: {  	[sflag:s20] =	ssyncadd.s32 $0xFFFFF800  }
0xaf: {  	_ =	swait.ge [sflag:s20], $0x800  }
0xb0: {  	[sflag:s20] =	ssyncset.done $0x0  }
0xb1: {  	[sflag:s20] =	ssyncadd.s32 $0xFFFFF800  }
0xb2: {  	_ =	swait.ge [sflag:s20], $0x800  }
0xb3: {  	[sflag:s20] =	ssyncset.done $0x0  }
0xb4: {  	[sflag:s20] =	ssyncadd.s32 $0xFFFFF800  }
0xb5: {  	_ =	swait.ge [sflag:s20], $0x800  }
0xb6: {  	[sflag:s20] =	ssyncset.done $0x0  }
0xb7: {  	[sflag:s20] =	ssyncadd.s32 $0xFFFFF800  }
0xb8: {  	_ =	swait.ge [sflag:s20], $0x800  }
0xb9: {  	[sflag:s20] =	ssyncset.done $0x0  }
0xba: {  	[sflag:s20] =	ssyncadd.s32 $0xFFFFF800  }
0xbb: {  	_ =	swait.ge [sflag:s20], $0x800  }
0xbc: {  	[sflag:s20] =	ssyncset.done $0x0  }
0xbd: {  	[sflag:s20] =	ssyncadd.s32 $0xFFFFF800  }
0xbe: {  	_ =	swait.ge [sflag:s20], $0x800  }
0xbf: {  	[sflag:s20] =	ssyncset.done $0x0  }
0xc0: {  	[sflag:s20] =	ssyncadd.s32 $0xFFFFF800  }
0xc1: {  	_ =	swait.ge [sflag:s20], $0x800  }
0xc2: {  	[sflag:s20] =	ssyncset.done $0x0  }
0xc3: {  	[sflag:s20] =	ssyncadd.s32 $0xFFFFF800  }
0xc4: {  	_ =	swait.ge [sflag:s20], $0x800  }
0xc5: {  	[sflag:s20] =	ssyncset.done $0x0  }
0xc6: {  	[sflag:s20] =	ssyncadd.s32 $0xFFFFF800  }
0xc7: {  	_ =	swait.ge [sflag:s20], $0x800  }
0xc8: {  	[sflag:s20] =	ssyncset.done $0x0  }
0xc9: {  	[sflag:s20] =	ssyncadd.s32 $0xFFFFF800  }
0xca: {  	s26 =	ssub.s32 $0x2, s1;
	_ =	swait.ge [sflag:s20], $0x800  }
0xcb: {  	s1 =	sshrl.u32 s26, $0x1;
	[sflag:s20] =	ssyncset.done $0x0  }
0xcc: {  	s0 =	ssub.s32 s26, s1;
	[sflag:s20] =	ssyncadd.s32 $0xFFFFF800  }
0xcd: {  	s0 =	smax.u32 s0, $0x1;
	_ =	swait.ge [sflag:s20], $0x800  }
0xce: {  	p0 =	sne.s32 s0, $0x1;
	[sflag:s20] =	ssyncset.done $0x0  }
.Ltmp0:
0xcf: {  	[sflag:s20] =	ssyncadd.s32 $0xFFFFF800;
	(pc) =	sbr.rel @!p0 .LBB2_2-.Ltmp0, $4  }
0xd0: {  	_ =	swait.ge [sflag:s20], $0x800  }
0xd1: {  	[sflag:s20] =	ssyncset.done $0x0  }
0xd2: {  	[sflag:s20] =	ssyncadd.s32 $0xFFFFF800  }
0xd3: {  	s1 =	sadd.s32 $0xFFFFFFFF, s0;
	_ =	swait.ge [sflag:s20], $0x800  }
.LBB2_1:
0xd4: {  	[sflag:s20] =	ssyncset.done $0x0  }
0xd5: {  	[sflag:s20] =	ssyncadd.s32 $0xFFFFF800  }
0xd6: {  	_ =	swait.ge [sflag:s20], $0x800  }
0xd7: {  	[sflag:s20] =	ssyncset.done $0x0  }
0xd8: {  	[sflag:s20] =	ssyncadd.s32 $0xFFFFF800  }
0xd9: {  	_ =	swait.ge [sflag:s20], $0x800  }
0xda: {  	[sflag:s20] =	ssyncset.done $0x0  }
0xdb: {  	[sflag:s20] =	ssyncadd.s32 $0xFFFFF800  }
0xdc: {  	_ =	swait.ge [sflag:s20], $0x800  }
0xdd: {  	[sflag:s20] =	ssyncset.done $0x0  }
0xde: {  	[sflag:s20] =	ssyncadd.s32 $0xFFFFF800  }
0xdf: {  	_ =	swait.ge [sflag:s20], $0x800  }
0xe0: {  	[sflag:s20] =	ssyncset.done $0x0  }
0xe1: {  	s0 =	rddreg [dreg:$0x4];
	[sflag:s20] =	ssyncadd.s32 $0xFFFFF800  }
0xe2: {  	[hbm4b:s0+s2] =	stream.linear.scatter [tilespmem:s4], [sflag:$0x2], $0x10000, $0x38;
	[tilespmem:$0x10800] =	vst v63  }
0xe3: {  	_ =	swait.ge [sflag:s3], $0x10000  }
0xe4: {  	[sflag:s3] =	ssyncset.done $0x0  }
0xe5: {  	s24 =	rddreg [dreg:$0x3];
	[sflag:s3] =	ssyncadd.s32 $0xFFFF0000  }
0xe6: {  	[tilespmem:s2], [sflag:$0x2] =	stream.linear.gather [hbm4b:s24+s2], $0x800, $0x38;
	[tilespmem:$0x10800] =	vst v63  }
0xe7: {  	_ =	swait.ge [sflag:s3], $0x800  }
0xe8: {  	s0 =	sld [smem:$0x7F3]  }
0xe9: {  	s7 =	sld [smem:$0x7F4]  }
0xea: {  	s8 =	sld [smem:$0x7F5]  }
0xeb: {  	s9 =	sld [smem:$0x7F6]  }
0xec: {  	s10 =	sld [smem:$0x7F7]  }
0xed: {  	s11 =	rddreg [dreg:$0x1f]  }
0xee: {  	s12 =	rddreg [dreg:$0x1d]  }
0xef: {  	s13 =	rddreg [dreg:$0x1b]  }
0xf0: {  	s14 =	rddreg [dreg:$0x19]  }
0xf1: {  	s15 =	rddreg [dreg:$0x17]  }
0xf2: {  	s16 =	rddreg [dreg:$0x15]  }
0xf3: {  	s17 =	rddreg [dreg:$0x13]  }
0xf4: {  	s18 =	rddreg [dreg:$0x11]  }
0xf5: {  	s19 =	rddreg [dreg:$0xf]  }
0xf6: {  	s21 =	rddreg [dreg:$0xd]  }
0xf7: {  	s22 =	rddreg [dreg:$0xb]  }
0xf8: {  	s23 =	rddreg [dreg:$0x6]  }
0xf9: {  	[sflag:s3] =	ssyncset.done $0x0;
	s24 =	rddreg [dreg:$0x5]  }
0xfa: {  	s25 =	rddreg [dreg:$0x7];
	[sflag:s3] =	ssyncadd.s32 $0xFFFFF800  }
0xfb: {  	[tilespmem:s4], [sflag:$0x1] =	stream.indirect.gather [hbm4b:s5+s6], $0x20, s2, s6, $0xb8;
	[tilespmem:$0x10800] =	vst v63  }
0xfc: {  	s26 =	rddreg [dreg:$0x9]  }
0xfd: {  	[tilespmem:s24], [sflag:$0x1] =	stream.indirect.gather [hbm4b:s5+s6], $0x20, s6, s6, $0xb8;
	[tilespmem:$0x10800] =	vst v63  }
0xfe: {  	s24 =	rddreg [dreg:$0x8]  }
0xff: {  	[tilespmem:s25], [sflag:$0x1] =	stream.indirect.gather [hbm4b:s5+s6], $0x20, s23, s6, $0xb8;
	[tilespmem:$0x10800] =	vst v63  }
0x100: {  	s25 =	rddreg [dreg:$0xa]  }
0x101: {  	[tilespmem:s26], [sflag:$0x1] =	stream.indirect.gather [hbm4b:s5+s6], $0x20, s24, s6, $0xb8;
	[tilespmem:$0x10800] =	vst v63  }
0x102: {  	s23 =	rddreg [dreg:$0x14]  }
0x103: {  	[tilespmem:s22], [sflag:$0x1] =	stream.indirect.gather [hbm4b:s5+s6], $0x20, s25, s6, $0xb8;
	[tilespmem:$0x10800] =	vst v63  }
0x104: {  	s26 =	rddreg [dreg:$0xc]  }
0x105: {  	[tilespmem:s21], [sflag:$0x1] =	stream.indirect.gather [hbm4b:s5+s6], $0x20, s26, s6, $0xb8;
	[tilespmem:$0x10800] =	vst v63  }
0x106: {  	s25 =	rddreg [dreg:$0xe]  }
0x107: {  	[tilespmem:s19], [sflag:$0x1] =	stream.indirect.gather [hbm4b:s5+s6], $0x20, s25, s6, $0xb8;
	[tilespmem:$0x10800] =	vst v63  }
0x108: {  	s26 =	rddreg [dreg:$0x10]  }
0x109: {  	[tilespmem:s18], [sflag:$0x1] =	stream.indirect.gather [hbm4b:s5+s6], $0x20, s26, s6, $0xb8;
	[tilespmem:$0x10800] =	vst v63  }
0x10a: {  	s22 =	rddreg [dreg:$0x12]  }
0x10b: {  	[tilespmem:s17], [sflag:$0x1] =	stream.indirect.gather [hbm4b:s5+s6], $0x20, s22, s6, $0xb8;
	[tilespmem:$0x10800] =	vst v63  }
0x10c: {  	s24 =	rddreg [dreg:$0x16]  }
0x10d: {  	[tilespmem:s16], [sflag:$0x1] =	stream.indirect.gather [hbm4b:s5+s6], $0x20, s23, s6, $0xb8;
	[tilespmem:$0x10800] =	vst v63  }
0x10e: {  	s25 =	rddreg [dreg:$0x18]  }
0x10f: {  	[tilespmem:s15], [sflag:$0x1] =	stream.indirect.gather [hbm4b:s5+s6], $0x20, s24, s6, $0xb8;
	[tilespmem:$0x10800] =	vst v63  }
0x110: {  	s19 =	sld [smem:$0x7F8]  }
0x111: {  	[tilespmem:s14], [sflag:$0x1] =	stream.indirect.gather [hbm4b:s5+s6], $0x20, s25, s6, $0xb8;
	[tilespmem:$0x10800] =	vst v63  }
0x112: {  	s26 =	rddreg [dreg:$0x1a]  }
0x113: {  	[tilespmem:s13], [sflag:$0x1] =	stream.indirect.gather [hbm4b:s5+s6], $0x20, s26, s6, $0xb8;
	[tilespmem:$0x10800] =	vst v63  }
0x114: {  	s17 =	rddreg [dreg:$0x1c]  }
0x115: {  	[tilespmem:s12], [sflag:$0x1] =	stream.indirect.gather [hbm4b:s5+s6], $0x20, s17, s6, $0xb8;
	[tilespmem:$0x10800] =	vst v63  }
0x116: {  	s18 =	rddreg [dreg:$0x1e]  }
0x117: {  	[tilespmem:s11], [sflag:$0x1] =	stream.indirect.gather [hbm4b:s5+s6], $0x20, s18, s6, $0xb8;
	[tilespmem:$0x10800] =	vst v63  }
0x118: {  	s21 =	sld [smem:$0x7F9]  }
0x119: {  	[tilespmem:s10], [sflag:$0x1] =	stream.indirect.gather [hbm4b:s5+s6], $0x20, s19, s6, $0xb8;
	[tilespmem:$0x10800] =	vst v63  }
0x11a: {  	s22 =	sld [smem:$0x7FA]  }
0x11b: {  	[tilespmem:s9], [sflag:$0x1] =	stream.indirect.gather [hbm4b:s5+s6], $0x20, s21, s6, $0xb8;
	[tilespmem:$0x10800] =	vst v63  }
0x11c: {  	s23 =	sld [smem:$0x7FB]  }
0x11d: {  	[tilespmem:s8], [sflag:$0x1] =	stream.indirect.gather [hbm4b:s5+s6], $0x20, s22, s6, $0xb8;
	[tilespmem:$0x10800] =	vst v63  }
0x11e: {  	s24 =	sld [smem:$0x7FC]  }
0x11f: {  	[tilespmem:s7], [sflag:$0x1] =	stream.indirect.gather [hbm4b:s5+s6], $0x20, s23, s6, $0xb8;
	[tilespmem:$0x10800] =	vst v63  }
0x120: {  	s25 =	sld [smem:$0x7FD]  }
0x121: {  	[tilespmem:s0], [sflag:$0x1] =	stream.indirect.gather [hbm4b:s5+s6], $0x20, s24, s6, $0xb8;
	[tilespmem:$0x10800] =	vst v63  }
0x122: {  	s26 =	simm.s32 $0xA800  }
0x123: {  	[tilespmem:s26], [sflag:$0x1] =	stream.indirect.gather [hbm4b:s5+s6], $0x20, s25, s6, $0xb8;
	[tilespmem:$0x10800] =	vst v63  }
0x124: {  	s9 =	simm.s32 $0xB000;
	s8 =	simm.s32 $0x540  }
0x125: {  	[tilespmem:s9], [sflag:$0x1] =	stream.indirect.gather [hbm4b:s5+s6], $0x20, s8, s6, $0xb8;
	[tilespmem:$0x10800] =	vst v63  }
0x126: {  	s11 =	simm.s32 $0xB800;
	s10 =	simm.s32 $0x580  }
0x127: {  	[tilespmem:s11], [sflag:$0x1] =	stream.indirect.gather [hbm4b:s5+s6], $0x20, s10, s6, $0xb8;
	[tilespmem:$0x10800] =	vst v63  }
0x128: {  	s13 =	simm.s32 $0xC000;
	s12 =	simm.s32 $0x5C0  }
0x129: {  	[tilespmem:s13], [sflag:$0x1] =	stream.indirect.gather [hbm4b:s5+s6], $0x20, s12, s6, $0xb8;
	[tilespmem:$0x10800] =	vst v63  }
0x12a: {  	s15 =	simm.s32 $0xC800;
	s14 =	simm.s32 $0x600  }
0x12b: {  	[tilespmem:s15], [sflag:$0x1] =	stream.indirect.gather [hbm4b:s5+s6], $0x20, s14, s6, $0xb8;
	[tilespmem:$0x10800] =	vst v63  }
0x12c: {  	s16 =	simm.s32 $0x640;
	s17 =	simm.s32 $0xD000  }
0x12d: {  	[tilespmem:s17], [sflag:$0x1] =	stream.indirect.gather [hbm4b:s5+s6], $0x20, s16, s6, $0xb8;
	[tilespmem:$0x10800] =	vst v63  }
0x12e: {  	s18 =	simm.s32 $0x680;
	s19 =	simm.s32 $0xD800  }
0x12f: {  	[tilespmem:s19], [sflag:$0x1] =	stream.indirect.gather [hbm4b:s5+s6], $0x20, s18, s6, $0xb8;
	[tilespmem:$0x10800] =	vst v63  }
0x130: {  	s21 =	simm.s32 $0x6C0;
	s22 =	simm.s32 $0xE000  }
0x131: {  	[tilespmem:s22], [sflag:$0x1] =	stream.indirect.gather [hbm4b:s5+s6], $0x20, s21, s6, $0xb8;
	[tilespmem:$0x10800] =	vst v63  }
0x132: {  	s23 =	simm.s32 $0x700;
	s24 =	simm.s32 $0xE800  }
0x133: {  	[tilespmem:s24], [sflag:$0x1] =	stream.indirect.gather [hbm4b:s5+s6], $0x20, s23, s6, $0xb8;
	[tilespmem:$0x10800] =	vst v63  }
0x134: {  	s25 =	simm.s32 $0x740;
	s26 =	simm.s32 $0xF000  }
0x135: {  	[tilespmem:s26], [sflag:$0x1] =	stream.indirect.gather [hbm4b:s5+s6], $0x20, s25, s6, $0xb8;
	[tilespmem:$0x10800] =	vst v63  }
0x136: {  	_ = 	snop  }
0x137: {  	[tilespmem:s29], [sflag:$0x1] =	stream.indirect.gather [hbm4b:s5+s6], $0x20, s28, s6, $0xb8;
	[tilespmem:$0x10800] =	vst v63  }
0x138: {  	_ = 	snop  }
0x139: {  	[tilespmem:s31], [sflag:$0x1] =	stream.indirect.gather [hbm4b:s5+s6], $0x20, s30, s6, $0xb8;
	[tilespmem:$0x10800] =	vst v63  }
0x13a: {  	_ =	swait.ge [sflag:s20], $0x800  }
0x13b: {  	[sflag:s20] =	ssyncset.done $0x0  }
0x13c: {  	[sflag:s20] =	ssyncadd.s32 $0xFFFFF800  }
0x13d: {  	_ =	swait.ge [sflag:s20], $0x800  }
0x13e: {  	[sflag:s20] =	ssyncset.done $0x0  }
0x13f: {  	[sflag:s20] =	ssyncadd.s32 $0xFFFFF800  }
0x140: {  	_ =	swait.ge [sflag:s20], $0x800  }
0x141: {  	[sflag:s20] =	ssyncset.done $0x0  }
0x142: {  	[sflag:s20] =	ssyncadd.s32 $0xFFFFF800  }
0x143: {  	_ =	swait.ge [sflag:s20], $0x800  }
0x144: {  	[sflag:s20] =	ssyncset.done $0x0  }
0x145: {  	[sflag:s20] =	ssyncadd.s32 $0xFFFFF800  }
0x146: {  	_ =	swait.ge [sflag:s20], $0x800  }
0x147: {  	[sflag:s20] =	ssyncset.done $0x0  }
0x148: {  	[sflag:s20] =	ssyncadd.s32 $0xFFFFF800  }
0x149: {  	_ =	swait.ge [sflag:s20], $0x800  }
0x14a: {  	[sflag:s20] =	ssyncset.done $0x0  }
0x14b: {  	[sflag:s20] =	ssyncadd.s32 $0xFFFFF800  }
0x14c: {  	_ =	swait.ge [sflag:s20], $0x800  }
0x14d: {  	[sflag:s20] =	ssyncset.done $0x0  }
0x14e: {  	[sflag:s20] =	ssyncadd.s32 $0xFFFFF800  }
0x14f: {  	_ =	swait.ge [sflag:s20], $0x800  }
0x150: {  	[sflag:s20] =	ssyncset.done $0x0  }
0x151: {  	[sflag:s20] =	ssyncadd.s32 $0xFFFFF800  }
0x152: {  	_ =	swait.ge [sflag:s20], $0x800  }
0x153: {  	[sflag:s20] =	ssyncset.done $0x0  }
0x154: {  	[sflag:s20] =	ssyncadd.s32 $0xFFFFF800  }
0x155: {  	_ =	swait.ge [sflag:s20], $0x800  }
0x156: {  	[sflag:s20] =	ssyncset.done $0x0  }
0x157: {  	[sflag:s20] =	ssyncadd.s32 $0xFFFFF800  }
0x158: {  	_ =	swait.ge [sflag:s20], $0x800  }
0x159: {  	[sflag:s20] =	ssyncset.done $0x0  }
0x15a: {  	[sflag:s20] =	ssyncadd.s32 $0xFFFFF800  }
0x15b: {  	_ =	swait.ge [sflag:s20], $0x800  }
0x15c: {  	[sflag:s20] =	ssyncset.done $0x0  }
0x15d: {  	[sflag:s20] =	ssyncadd.s32 $0xFFFFF800  }
0x15e: {  	_ =	swait.ge [sflag:s20], $0x800  }
0x15f: {  	[sflag:s20] =	ssyncset.done $0x0  }
0x160: {  	[sflag:s20] =	ssyncadd.s32 $0xFFFFF800  }
0x161: {  	_ =	swait.ge [sflag:s20], $0x800  }
0x162: {  	[sflag:s20] =	ssyncset.done $0x0  }
0x163: {  	[sflag:s20] =	ssyncadd.s32 $0xFFFFF800  }
0x164: {  	_ =	swait.ge [sflag:s20], $0x800  }
0x165: {  	[sflag:s20] =	ssyncset.done $0x0  }
0x166: {  	[sflag:s20] =	ssyncadd.s32 $0xFFFFF800  }
0x167: {  	_ =	swait.ge [sflag:s20], $0x800  }
0x168: {  	[sflag:s20] =	ssyncset.done $0x0  }
0x169: {  	[sflag:s20] =	ssyncadd.s32 $0xFFFFF800  }
0x16a: {  	_ =	swait.ge [sflag:s20], $0x800  }
0x16b: {  	[sflag:s20] =	ssyncset.done $0x0  }
0x16c: {  	[sflag:s20] =	ssyncadd.s32 $0xFFFFF800  }
0x16d: {  	_ =	swait.ge [sflag:s20], $0x800  }
0x16e: {  	[sflag:s20] =	ssyncset.done $0x0  }
0x16f: {  	[sflag:s20] =	ssyncadd.s32 $0xFFFFF800  }
0x170: {  	_ =	swait.ge [sflag:s20], $0x800  }
0x171: {  	[sflag:s20] =	ssyncset.done $0x0  }
0x172: {  	[sflag:s20] =	ssyncadd.s32 $0xFFFFF800  }
0x173: {  	_ =	swait.ge [sflag:s20], $0x800  }
0x174: {  	[sflag:s20] =	ssyncset.done $0x0  }
0x175: {  	[sflag:s20] =	ssyncadd.s32 $0xFFFFF800  }
0x176: {  	_ =	swait.ge [sflag:s20], $0x800  }
0x177: {  	[sflag:s20] =	ssyncset.done $0x0  }
0x178: {  	[sflag:s20] =	ssyncadd.s32 $0xFFFFF800  }
0x179: {  	_ =	swait.ge [sflag:s20], $0x800  }
0x17a: {  	[sflag:s20] =	ssyncset.done $0x0  }
0x17b: {  	[sflag:s20] =	ssyncadd.s32 $0xFFFFF800  }
0x17c: {  	_ =	swait.ge [sflag:s20], $0x800  }
0x17d: {  	[sflag:s20] =	ssyncset.done $0x0  }
0x17e: {  	[sflag:s20] =	ssyncadd.s32 $0xFFFFF800  }
0x17f: {  	_ =	swait.ge [sflag:s20], $0x800  }
0x180: {  	[sflag:s20] =	ssyncset.done $0x0  }
0x181: {  	[sflag:s20] =	ssyncadd.s32 $0xFFFFF800  }
0x182: {  	_ =	swait.ge [sflag:s20], $0x800  }
0x183: {  	[sflag:s20] =	ssyncset.done $0x0  }
0x184: {  	[sflag:s20] =	ssyncadd.s32 $0xFFFFF800  }
0x185: {  	_ =	swait.ge [sflag:s20], $0x800  }
0x186: {  	p0 =	sne.s32 s1, $0x1;
	[sflag:s20] =	ssyncset.done $0x0  }
.Ltmp1:
0x187: {  	[sflag:s20] =	ssyncadd.s32 $0xFFFFF800;
	(pc) =	sbr.rel @p0 .LBB2_1-.Ltmp1, $4  }
0x188: {  	_ =	swait.ge [sflag:s20], $0x800  }
0x189: {  	[sflag:s20] =	ssyncset.done $0x0  }
0x18a: {  	[sflag:s20] =	ssyncadd.s32 $0xFFFFF800  }
0x18b: {  	s1 =	sadd.s32 $0xFFFFFFFF, s1;
	_ =	swait.ge [sflag:s20], $0x800  }
.LBB2_2:
0x18c: {  	[sflag:s20] =	ssyncset.done $0x0  }
0x18d: {  	[sflag:s20] =	ssyncadd.s32 $0xFFFFF800  }
0x18e: {  	_ =	swait.ge [sflag:s20], $0x800  }
0x18f: {  	[sflag:s20] =	ssyncset.done $0x0  }
0x190: {  	[sflag:s20] =	ssyncadd.s32 $0xFFFFF800  }
0x191: {  	_ =	swait.ge [sflag:s20], $0x800  }
0x192: {  	[sflag:s20] =	ssyncset.done $0x0  }
0x193: {  	[sflag:s20] =	ssyncadd.s32 $0xFFFFF800  }
0x194: {  	_ =	swait.ge [sflag:s20], $0x800  }
0x195: {  	[sflag:s20] =	ssyncset.done $0x0  }
0x196: {  	[sflag:s20] =	ssyncadd.s32 $0xFFFFF800  }
0x197: {  	_ =	swait.ge [sflag:s20], $0x800  }
0x198: {  	[sflag:s20] =	ssyncset.done $0x0  }
0x199: {  	s0 =	rddreg [dreg:$0x4];
	[sflag:s20] =	ssyncadd.s32 $0xFFFFF800  }
0x19a: {  	[hbm4b:s0+s2] =	stream.linear.scatter [tilespmem:s4], [sflag:$0x2], $0x10000, $0x38;
	[tilespmem:$0x10800] =	vst v63  }
0x19b: {  	_ =	swait.ge [sflag:s3], $0x10000  }
0x19c: {  	[sflag:s3] =	ssyncset.done $0x0  }
0x19d: {  	[sflag:s3] =	ssyncadd.s32 $0xFFFF0000  }
0x19e: {  	_ =	sfence.sel $0x180000  }
0x19f: {  	[bflag:$0x0] =	sbarrier.arrive $0xFFFF  }
0x1a0: {  	_ =	strace $0x90000047  }
0x1a1: {  	s31 =	stileid.u32;
	[bflag:$0x2] =	sbarrier.arrive $0xFFFF  }
0x1a2: {  	p0 =	sne.s32 s31, $0x0;
	s0 =	rddreg [dreg:$0x2]  }
0x1a3: {  	s0 =	sadd.s32 @!p0 $0x100000, s0  }
0x1a4: {  	[sflag:s0] =	ssyncadd.tile.s32 @!p0 $0x1;
	_ =	shalt  }
.Lfunc_end2:
_tile_overlayer_lowered:
.L_overlay_start_2:
0x1a5: {  	(tag) =	ssettag $0x2  }
0x1a6: {  	s0 =	rddreg [dreg:$0x0];
	s2 =	stileid.u32  }
0x1a7: {  	s1 =	rddreg [dreg:$0x1];
	p0 =	sne.s32 s2, $0x0  }
0x1a8: {  	s3 =	rddreg [dreg:$0x2];
	[bflag:$0x3] =	sbarrier.arrive $0xFFFF;
	s2 =	simm.s32 @!p0 $0x1C02  }
0x1a9: {  	[timem:s3], [sflag:s2] =	dma.local @!p0 [hbm:s0], s1  }
0x1aa: {  	s0 =	simm.s32 @!p0 $0x2  }
0x1ab: {  	_ =	swait.ge @!p0 [sflag:s0], s1  }
0x1ac: {  	s1 =	ssub.s32 @!p0 $0x0, s1;
	[sflag:s0] =	ssyncset.done @!p0 $0x0  }
0x1ad: {  	[sflag:s0] =	ssyncadd.s32 @!p0 s1  }
0x1ae: {  	[bflag:$0x3] =	sbarrier.arrive $0xFFFF  }
0x1af: {  	_ =	shalt  }

</sc_bundles>
